<compile_context>
chip_gen: v7x
topology: tpu7x:2x2x1
jax: 0.10.2.dev20260603
libtpu: 0.0.44.dev20260713+nightly
codegen_flags: <defaults>
</compile_context>

<pallas_src>
import functools

import jax
import jax.numpy as jnp
from jax import lax
from jax.experimental import pallas as pl
from jax.experimental.pallas import tpu as pltpu
from jax.experimental.pallas import tpu_sc as plsc

B, C, H, W, K = 64, 8, 128, 128, 128
HW = H * W
N = B * K
NC, NS = 2, 16
NW = NC * NS
IPT = N // NW
NCH = IPT // 16
GPT = C * IPT


def _sc_gather_body(src_hbm, ind_hbm, out_hbm, ind_v, idx_v, rows_v, sem):
    wid = lax.axis_index("s") * NC + lax.axis_index("c")
    base = wid * IPT
    pltpu.sync_copy(ind_hbm.at[pl.ds(base, IPT)], ind_v)
    wbase = (wid * (IPT // K)) * (C * HW)
    copies = []
    for half in range(4):
        for c in (2 * half, 2 * half + 1):
            for chunk in range(NCH):
                boff = wbase + (chunk // (K // 16)) * (C * HW)
                idx_v[pl.ds((c * NCH + chunk) * 16, 16)] = (
                    ind_v[pl.ds(chunk * 16, 16)] + (boff + c * HW)
                )
        sl = pl.ds(half * 2 * IPT, 2 * IPT)
        copies.append(
            pltpu.async_copy(src_hbm.at[idx_v.at[sl]], rows_v.at[sl], sem)
        )
    for cp in copies:
        cp.wait()
    pltpu.sync_copy(rows_v, out_hbm.at[wid])


@functools.cache
def _sc_gather():
    return functools.partial(
        pl.kernel,
        out_type=jax.ShapeDtypeStruct((NW, GPT), jnp.float32),
        mesh=plsc.VectorSubcoreMesh(core_axis_name="c", subcore_axis_name="s"),
        scratch_types=[
            pltpu.VMEM((IPT,), jnp.int32),
            pltpu.VMEM((GPT,), jnp.int32),
            pltpu.VMEM((GPT,), jnp.float32),
            pltpu.SemaphoreType.DMA,
        ],
    )(_sc_gather_body)


def _loss_body(pred_ref, mask_ref, tb_ref, tr_ref, out_ref):
    x = [pred_ref[:, c, :] for c in range(C)]
    mf = mask_ref[...].astype(jnp.float32)
    tb0 = tb_ref[0]
    tb1 = tb_ref[1]
    tr0 = tr_ref[0]
    tr1 = tr_ref[1]
    cnt = jnp.sum(mf)

    def pick_logp(a, b, t):
        m = jnp.maximum(a, b)
        lse = m + jnp.log(jnp.exp(a - m) + jnp.exp(b - m))
        return jnp.where(t == 1, b, a) - lse

    s1 = jnp.sum(pick_logp(x[0], x[1], tb0) * mf)
    s2 = jnp.sum(pick_logp(x[4], x[5], tb1) * mf)

    def sl1(p, t):
        d = jnp.abs(p - t)
        return jnp.where(d < 1.0, 0.5 * d * d, d - 0.5)

    w1 = tb0.astype(jnp.float32)
    w2 = tb1.astype(jnp.float32)
    n1 = jnp.sum(w1)
    n2 = jnp.sum(w2)
    r1 = jnp.sum((sl1(x[2], jnp.sin(tr0)) + sl1(x[3], jnp.cos(tr0))) * w1)
    r2 = jnp.sum((sl1(x[6], jnp.sin(tr1)) + sl1(x[7], jnp.cos(tr1))) * w2)

    zero = jnp.float32(0.0)
    lb1 = jnp.where(cnt > 0, -s1 / cnt, zero)
    lb2 = jnp.where(cnt > 0, -s2 / cnt, zero)
    lr = jnp.where(n1 > 0, r1 / n1, zero) + jnp.where(n2 > 0, r2 / n2, zero)
    total = lb1 + lb2 + lr
    out_ref[0, 0] = jnp.where(cnt == 0, zero, total)


_loss = pl.pallas_call(
    _loss_body,
    out_shape=jax.ShapeDtypeStruct((1, 1), jnp.float32),
    out_specs=pl.BlockSpec(memory_space=pltpu.SMEM),
)


def kernel(output, mask, ind, rotbin, rotres):
    src = output.reshape(-1)
    indf = ind.reshape(-1).astype(jnp.int32)
    pred = _sc_gather()(src, indf).reshape(NW, C, IPT)
    tb = jnp.transpose(rotbin, (2, 0, 1)).reshape(2, NW, IPT).astype(jnp.int32)
    tr = jnp.transpose(rotres, (2, 0, 1)).reshape(2, NW, IPT)
    out = _loss(pred, mask.reshape(NW, IPT).astype(jnp.int32), tb, tr)
    return out[0, 0]

# --- scband reference (transcript-rebuilt; emitter-appended) ---
"""Pipeline reference for scband-bin-rot-loss-23656679866419 (READ-ONLY COPY).

The authoritative reference and input builder live on the scoring server;
editing this copy changes nothing except your own understanding.
"""

import jax, jax.numpy as jnp
import numpy as np

B, C, H, W, K = 64, 8, 128, 128, 128

def setup_inputs(seed: int = 0):
    key = jax.random.key(seed)
    k1, k2, k3, k4, k5 = jax.random.split(key, 5)
    output = jax.random.normal(k1, (B, C, H, W), dtype=jnp.float32)
    mask = jax.random.randint(k2, (B, K), 0, 2)
    ind = jax.random.randint(k3, (B, K), 0, H * W)
    rotbin = jax.random.randint(k4, (B, K, 2), 0, 2)
    rotres = jax.random.normal(k5, (B, K, 2), dtype=jnp.float32)
    return {"output": output, "mask": mask, "ind": ind, "rotbin": rotbin, "rotres": rotres}

def _smooth_l1(pred, target):
    d = jnp.abs(pred - target)
    return jnp.mean(jnp.where(d < 1.0, 0.5 * d * d, d - 0.5))

def _cross_entropy(logits, targets):
    logp = jax.nn.log_softmax(logits, axis=-1)
    return -jnp.mean(jnp.take_along_axis(logp, targets[:, None], axis=1))

def _smooth_l1_elem(pred, target):
    d = jnp.abs(pred - target)
    return jnp.where(d < 1.0, 0.5 * d * d, d - 0.5)

def reference(output, mask, ind, rotbin, rotres):
    Bv, Cv, Hv, Wv = output.shape
    # transposeAndGetFeature: [B,C,H,W] -> [B,H*W,C] -> gather at ind -> [B,K,C]
    feat = jnp.transpose(output, (0, 2, 3, 1)).reshape(Bv, Hv * Wv, Cv)
    pred = jnp.take_along_axis(feat, ind[:, :, None], axis=1)
    zero_branch = jnp.mean(pred * mask[..., None].astype(pred.dtype))
    out = pred.reshape(-1, 8)
    tb = rotbin.reshape(-1, 2)
    tr = rotres.reshape(-1, 2)
    m = mask.reshape(-1)
    mf = m.astype(jnp.float32)
    cnt = jnp.sum(mf)
    logp1 = jax.nn.log_softmax(out[:, 0:2], axis=-1)
    pick1 = jnp.take_along_axis(logp1, tb[:, 0][:, None], axis=1)[:, 0]
    logp2 = jax.nn.log_softmax(out[:, 4:6], axis=-1)
    pick2 = jnp.take_along_axis(logp2, tb[:, 1][:, None], axis=1)[:, 0]
    loss_bin1 = jnp.where(cnt > 0, -jnp.sum(pick1 * mf) / cnt, jnp.asarray(0.0, dtype=jnp.float32))
    loss_bin2 = jnp.where(cnt > 0, -jnp.sum(pick2 * mf) / cnt, jnp.asarray(0.0, dtype=jnp.float32))
    loss_res = jnp.zeros_like(loss_bin1)
    w1 = tb[:, 0].astype(jnp.float32)
    n1 = jnp.sum(w1)
    s1 = (jnp.sum(_smooth_l1_elem(out[:, 2], jnp.sin(tr[:, 0])) * w1) / n1
          + jnp.sum(_smooth_l1_elem(out[:, 3], jnp.cos(tr[:, 0])) * w1) / n1)
    loss_res = loss_res + jnp.where(n1 > 0, s1, 0.0)
    w2 = tb[:, 1].astype(jnp.float32)
    n2 = jnp.sum(w2)
    s2 = (jnp.sum(_smooth_l1_elem(out[:, 6], jnp.sin(tr[:, 1])) * w2) / n2
          + jnp.sum(_smooth_l1_elem(out[:, 7], jnp.cos(tr[:, 1])) * w2) / n2)
    loss_res = loss_res + jnp.where(n2 > 0, s2, 0.0)
    total = loss_bin1 + loss_bin2 + loss_res
    return jnp.where(jnp.sum(m) == 0, zero_branch, total)

if __name__ == "__main__":
    import jax
    _d = setup_inputs()
    print(jax.jit(kernel)(*tuple(_d.values())))

</pallas_src>

<mosaic_0001>
#map = affine_map<(d0, d1) -> (0)>
#map1 = affine_map<(d0, d1) -> (0, 0)>
module attributes {stable_mosaic.version = 14 : i64} {
  func.func @_sc_gather_body(%arg0: i32, %arg1: i32, %arg2: memref<8388608xf32, #tpu.memory_space<hbm>>, %arg3: memref<8192xi32, #tpu.memory_space<hbm>>, %arg4: memref<32x2048xf32, #tpu.memory_space<hbm>>, %arg5: memref<256xi32, #tpu.memory_space<vmem>>, %arg6: memref<2048xi32, #tpu.memory_space<vmem>>, %arg7: memref<2048xf32, #tpu.memory_space<vmem>>, %arg8: memref<!tpu.dma_semaphore, #tpu.memory_space<semaphore_mem>>) attributes {dimension_semantics = [#tpu.dimension_semantics<core_parallel>, #tpu.dimension_semantics<subcore_parallel>], iteration_bounds = array<i64: 2, 16>, scalar_prefetch = 0 : i64, scratch_operands = 4 : i64, tpu.core_type = #tpu.core_type<sc_vector_subcore>, window_params = [{transform_indices = #map}, {transform_indices = #map}, {transform_indices = #map1}]} {
    %mul3A = arith.constant 2 : i32
    %mul3A_0 = arith.muli %arg1, %mul3A : i32
    %add3A = arith.addi %mul3A_0, %arg0 : i32
    %mul3A_1 = arith.constant 256 : i32
    %mul3A_2 = arith.muli %add3A, %mul3A_1 : i32
    "tpu.region"() ({
      %run_scoped3A = tpu.sem_alloc : memref<!tpu.dma_semaphore, #tpu.memory_space<semaphore_mem>>
      %dma_start3A_1715 = tpu.memref_slice %arg3[%mul3A_2] : memref<8192xi32, #tpu.memory_space<hbm>> -> memref<256xi32, #tpu.memory_space<hbm>>
      %dma_start3A_1716 = tpu.memref_slice %arg3[%mul3A_2] : memref<8192xi32, #tpu.memory_space<hbm>> -> memref<256xi32, #tpu.memory_space<hbm>>
      tpu.enqueue_dma source(%dma_start3A_1716 : memref<256xi32, #tpu.memory_space<hbm>>) target(%arg5 : memref<256xi32, #tpu.memory_space<vmem>>) target_semaphore(%run_scoped3A : memref<!tpu.dma_semaphore, #tpu.memory_space<semaphore_mem>>)
      %dma_wait3A_1717 = tpu.memref_slice %arg3[%mul3A_2] : memref<8192xi32, #tpu.memory_space<hbm>> -> memref<256xi32, #tpu.memory_space<hbm>>
      %dma_wait3A_1718 = tpu.memref_slice %arg3[%mul3A_2] : memref<8192xi32, #tpu.memory_space<hbm>> -> memref<256xi32, #tpu.memory_space<hbm>>
      tpu.wait_dma2 semaphore(%run_scoped3A : memref<!tpu.dma_semaphore, #tpu.memory_space<semaphore_mem>>) src(%dma_wait3A_1718 : memref<256xi32, #tpu.memory_space<hbm>>) dst(%arg5 : memref<256xi32, #tpu.memory_space<vmem>>)
      tpu.yield
    }) : () -> ()
    %mul3A_3 = arith.constant 2 : i32
    %mul3A_4 = arith.muli %add3A, %mul3A_3 : i32
    %mul3A_5 = arith.constant 131072 : i32
    %mul3A_6 = arith.muli %mul3A_4, %mul3A_5 : i32
    %add3A_7 = arith.constant 0 : i32
    %add3A_8 = arith.addi %mul3A_6, %add3A_7 : i32
    %get3A = arith.constant 0 : index
    %get3A_9 = tpu.vector_load %arg5[%get3A] {strides = array<i32>} : memref<256xi32, #tpu.memory_space<vmem>>, vector<16xi32>,
    %get3A_10 = vector.shape_cast %get3A_9 : vector<16xi32> to vector<16xi32>
    %add3A_11 = arith.constant 0 : i32
    %add3A_12 = arith.addi %add3A_8, %add3A_11 : i32
    %add3A_13 = vector.broadcast %add3A_12 : i32 to vector<16xi32>
    %add3A_14 = arith.addi %get3A_10, %add3A_13 : vector<16xi32>
    %swap3A = arith.constant 0 : index
    %swap3A_15 = tpu.vector_load %arg6[%swap3A] {strides = array<i32>} : memref<2048xi32, #tpu.memory_space<vmem>>, vector<16xi32>,
    %swap3A_16 = vector.shape_cast %swap3A_15 : vector<16xi32> to vector<16xi32>
    %swap3A_17 = vector.shape_cast %add3A_14 : vector<16xi32> to vector<16xi32>
    tpu.vector_store %arg6[%swap3A], %swap3A_17 {strides = array<i32>} : memref<2048xi32, #tpu.memory_space<vmem>>, vector<16xi32>,
    %add3A_18 = arith.constant 0 : i32
    %add3A_19 = arith.addi %mul3A_6, %add3A_18 : i32
    %get3A_20 = arith.constant 16 : index
    %get3A_21 = tpu.vector_load %arg5[%get3A_20] {strides = array<i32>} : memref<256xi32, #tpu.memory_space<vmem>>, vector<16xi32>,
    %get3A_22 = vector.shape_cast %get3A_21 : vector<16xi32> to vector<16xi32>
    %add3A_23 = arith.constant 0 : i32
    %add3A_24 = arith.addi %add3A_19, %add3A_23 : i32
    %add3A_25 = vector.broadcast %add3A_24 : i32 to vector<16xi32>
    %add3A_26 = arith.addi %get3A_22, %add3A_25 : vector<16xi32>
    %swap3A_27 = arith.constant 16 : index
    %swap3A_28 = tpu.vector_load %arg6[%swap3A_27] {strides = array<i32>} : memref<2048xi32, #tpu.memory_space<vmem>>, vector<16xi32>,
    %swap3A_29 = vector.shape_cast %swap3A_28 : vector<16xi32> to vector<16xi32>
    %swap3A_30 = vector.shape_cast %add3A_26 : vector<16xi32> to vector<16xi32>
    tpu.vector_store %arg6[%swap3A_27], %swap3A_30 {strides = array<i32>} : memref<2048xi32, #tpu.memory_space<vmem>>, vector<16xi32>,
    %add3A_31 = arith.constant 0 : i32
    %add3A_32 = arith.addi %mul3A_6, %add3A_31 : i32
    %get3A_33 = arith.constant 32 : index
    %get3A_34 = tpu.vector_load %arg5[%get3A_33] {strides = array<i32>} : memref<256xi32, #tpu.memory_space<vmem>>, vector<16xi32>,
    %get3A_35 = vector.shape_cast %get3A_34 : vector<16xi32> to vector<16xi32>
    %add3A_36 = arith.constant 0 : i32
    %add3A_37 = arith.addi %add3A_32, %add3A_36 : i32
    %add3A_38 = vector.broadcast %add3A_37 : i32 to vector<16xi32>
    %add3A_39 = arith.addi %get3A_35, %add3A_38 : vector<16xi32>
    %swap3A_40 = arith.constant 32 : index
    %swap3A_41 = tpu.vector_load %arg6[%swap3A_40] {strides = array<i32>} : memref<2048xi32, #tpu.memory_space<vmem>>, vector<16xi32>,
    %swap3A_42 = vector.shape_cast %swap3A_41 : vector<16xi32> to vector<16xi32>
    %swap3A_43 = vector.shape_cast %add3A_39 : vector<16xi32> to vector<16xi32>
    tpu.vector_store %arg6[%swap3A_40], %swap3A_43 {strides = array<i32>} : memref<2048xi32, #tpu.memory_space<vmem>>, vector<16xi32>,
    %add3A_44 = arith.constant 0 : i32
    %add3A_45 = arith.addi %mul3A_6, %add3A_44 : i32
    %get3A_46 = arith.constant 48 : index
    %get3A_47 = tpu.vector_load %arg5[%get3A_46] {strides = array<i32>} : memref<256xi32, #tpu.memory_space<vmem>>, vector<16xi32>,
    %get3A_48 = vector.shape_cast %get3A_47 : vector<16xi32> to vector<16xi32>
    %add3A_49 = arith.constant 0 : i32
    %add3A_50 = arith.addi %add3A_45, %add3A_49 : i32
    %add3A_51 = vector.broadcast %add3A_50 : i32 to vector<16xi32>
    %add3A_52 = arith.addi %get3A_48, %add3A_51 : vector<16xi32>
    %swap3A_53 = arith.constant 48 : index
    %swap3A_54 = tpu.vector_load %arg6[%swap3A_53] {strides = array<i32>} : memref<2048xi32, #tpu.memory_space<vmem>>, vector<16xi32>,
    %swap3A_55 = vector.shape_cast %swap3A_54 : vector<16xi32> to vector<16xi32>
    %swap3A_56 = vector.shape_cast %add3A_52 : vector<16xi32> to vector<16xi32>
    tpu.vector_store %arg6[%swap3A_53], %swap3A_56 {strides = array<i32>} : memref<2048xi32, #tpu.memory_space<vmem>>, vector<16xi32>,
    %add3A_57 = arith.constant 0 : i32
    %add3A_58 = arith.addi %mul3A_6, %add3A_57 : i32
    %get3A_59 = arith.constant 64 : index
    %get3A_60 = tpu.vector_load %arg5[%get3A_59] {strides = array<i32>} : memref<256xi32, #tpu.memory_space<vmem>>, vector<16xi32>,
    %get3A_61 = vector.shape_cast %get3A_60 : vector<16xi32> to vector<16xi32>
    %add3A_62 = arith.constant 0 : i32
    %add3A_63 = arith.addi %add3A_58, %add3A_62 : i32
    %add3A_64 = vector.broadcast %add3A_63 : i32 to vector<16xi32>
    %add3A_65 = arith.addi %get3A_61, %add3A_64 : vector<16xi32>
    %swap3A_66 = arith.constant 64 : index
    %swap3A_67 = tpu.vector_load %arg6[%swap3A_66] {strides = array<i32>} : memref<2048xi32, #tpu.memory_space<vmem>>, vector<16xi32>,
    %swap3A_68 = vector.shape_cast %swap3A_67 : vector<16xi32> to vector<16xi32>
    %swap3A_69 = vector.shape_cast %add3A_65 : vector<16xi32> to vector<16xi32>
    tpu.vector_store %arg6[%swap3A_66], %swap3A_69 {strides = array<i32>} : memref<2048xi32, #tpu.memory_space<vmem>>, vector<16xi32>,
    %add3A_70 = arith.constant 0 : i32
    %add3A_71 = arith.addi %mul3A_6, %add3A_70 : i32
    %get3A_72 = arith.constant 80 : index
    %get3A_73 = tpu.vector_load %arg5[%get3A_72] {strides = array<i32>} : memref<256xi32, #tpu.memory_space<vmem>>, vector<16xi32>,
    %get3A_74 = vector.shape_cast %get3A_73 : vector<16xi32> to vector<16xi32>
    %add3A_75 = arith.constant 0 : i32
    %add3A_76 = arith.addi %add3A_71, %add3A_75 : i32
    %add3A_77 = vector.broadcast %add3A_76 : i32 to vector<16xi32>
    %add3A_78 = arith.addi %get3A_74, %add3A_77 : vector<16xi32>
    %swap3A_79 = arith.constant 80 : index
    %swap3A_80 = tpu.vector_load %arg6[%swap3A_79] {strides = array<i32>} : memref<2048xi32, #tpu.memory_space<vmem>>, vector<16xi32>,
    %swap3A_81 = vector.shape_cast %swap3A_80 : vector<16xi32> to vector<16xi32>
    %swap3A_82 = vector.shape_cast %add3A_78 : vector<16xi32> to vector<16xi32>
    tpu.vector_store %arg6[%swap3A_79], %swap3A_82 {strides = array<i32>} : memref<2048xi32, #tpu.memory_space<vmem>>, vector<16xi32>,
    %add3A_83 = arith.constant 0 : i32
    %add3A_84 = arith.addi %mul3A_6, %add3A_83 : i32
    %get3A_85 = arith.constant 96 : index
    %get3A_86 = tpu.vector_load %arg5[%get3A_85] {strides = array<i32>} : memref<256xi32, #tpu.memory_space<vmem>>, vector<16xi32>,
    %get3A_87 = vector.shape_cast %get3A_86 : vector<16xi32> to vector<16xi32>
    %add3A_88 = arith.constant 0 : i32
    %add3A_89 = arith.addi %add3A_84, %add3A_88 : i32
    %add3A_90 = vector.broadcast %add3A_89 : i32 to vector<16xi32>
    %add3A_91 = arith.addi %get3A_87, %add3A_90 : vector<16xi32>
    %swap3A_92 = arith.constant 96 : index
    %swap3A_93 = tpu.vector_load %arg6[%swap3A_92] {strides = array<i32>} : memref<2048xi32, #tpu.memory_space<vmem>>, vector<16xi32>,
    %swap3A_94 = vector.shape_cast %swap3A_93 : vector<16xi32> to vector<16xi32>
    %swap3A_95 = vector.shape_cast %add3A_91 : vector<16xi32> to vector<16xi32>
    tpu.vector_store %arg6[%swap3A_92], %swap3A_95 {strides = array<i32>} : memref<2048xi32, #tpu.memory_space<vmem>>, vector<16xi32>,
    %add3A_96 = arith.constant 0 : i32
    %add3A_97 = arith.addi %mul3A_6, %add3A_96 : i32
    %get3A_98 = arith.constant 112 : index
    %get3A_99 = tpu.vector_load %arg5[%get3A_98] {strides = array<i32>} : memref<256xi32, #tpu.memory_space<vmem>>, vector<16xi32>,
    %get3A_100 = vector.shape_cast %get3A_99 : vector<16xi32> to vector<16xi32>
    %add3A_101 = arith.constant 0 : i32
    %add3A_102 = arith.addi %add3A_97, %add3A_101 : i32
    %add3A_103 = vector.broadcast %add3A_102 : i32 to vector<16xi32>
    %add3A_104 = arith.addi %get3A_100, %add3A_103 : vector<16xi32>
    %swap3A_105 = arith.constant 112 : index
    %swap3A_106 = tpu.vector_load %arg6[%swap3A_105] {strides = array<i32>} : memref<2048xi32, #tpu.memory_space<vmem>>, vector<16xi32>,
    %swap3A_107 = vector.shape_cast %swap3A_106 : vector<16xi32> to vector<16xi32>
    %swap3A_108 = vector.shape_cast %add3A_104 : vector<16xi32> to vector<16xi32>
    tpu.vector_store %arg6[%swap3A_105], %swap3A_108 {strides = array<i32>} : memref<2048xi32, #tpu.memory_space<vmem>>, vector<16xi32>,
    %add3A_109 = arith.constant 131072 : i32
    %add3A_110 = arith.addi %mul3A_6, %add3A_109 : i32
    %get3A_111 = arith.constant 128 : index
    %get3A_112 = tpu.vector_load %arg5[%get3A_111] {strides = array<i32>} : memref<256xi32, #tpu.memory_space<vmem>>, vector<16xi32>,
    %get3A_113 = vector.shape_cast %get3A_112 : vector<16xi32> to vector<16xi32>
    %add3A_114 = arith.constant 0 : i32
    %add3A_115 = arith.addi %add3A_110, %add3A_114 : i32
    %add3A_116 = vector.broadcast %add3A_115 : i32 to vector<16xi32>
    %add3A_117 = arith.addi %get3A_113, %add3A_116 : vector<16xi32>
    %swap3A_118 = arith.constant 128 : index
    %swap3A_119 = tpu.vector_load %arg6[%swap3A_118] {strides = array<i32>} : memref<2048xi32, #tpu.memory_space<vmem>>, vector<16xi32>,
    %swap3A_120 = vector.shape_cast %swap3A_119 : vector<16xi32> to vector<16xi32>
    %swap3A_121 = vector.shape_cast %add3A_117 : vector<16xi32> to vector<16xi32>
    tpu.vector_store %arg6[%swap3A_118], %swap3A_121 {strides = array<i32>} : memref<2048xi32, #tpu.memory_space<vmem>>, vector<16xi32>,
    %add3A_122 = arith.constant 131072 : i32
    %add3A_123 = arith.addi %mul3A_6, %add3A_122 : i32
    %get3A_124 = arith.constant 144 : index
    %get3A_125 = tpu.vector_load %arg5[%get3A_124] {strides = array<i32>} : memref<256xi32, #tpu.memory_space<vmem>>, vector<16xi32>,
    %get3A_126 = vector.shape_cast %get3A_125 : vector<16xi32> to vector<16xi32>
    %add3A_127 = arith.constant 0 : i32
    %add3A_128 = arith.addi %add3A_123, %add3A_127 : i32
    %add3A_129 = vector.broadcast %add3A_128 : i32 to vector<16xi32>
    %add3A_130 = arith.addi %get3A_126, %add3A_129 : vector<16xi32>
    %swap3A_131 = arith.constant 144 : index
    %swap3A_132 = tpu.vector_load %arg6[%swap3A_131] {strides = array<i32>} : memref<2048xi32, #tpu.memory_space<vmem>>, vector<16xi32>,
    %swap3A_133 = vector.shape_cast %swap3A_132 : vector<16xi32> to vector<16xi32>
    %swap3A_134 = vector.shape_cast %add3A_130 : vector<16xi32> to vector<16xi32>
    tpu.vector_store %arg6[%swap3A_131], %swap3A_134 {strides = array<i32>} : memref<2048xi32, #tpu.memory_space<vmem>>, vector<16xi32>,
    %add3A_135 = arith.constant 131072 : i32
    %add3A_136 = arith.addi %mul3A_6, %add3A_135 : i32
    %get3A_137 = arith.constant 160 : index
    %get3A_138 = tpu.vector_load %arg5[%get3A_137] {strides = array<i32>} : memref<256xi32, #tpu.memory_space<vmem>>, vector<16xi32>,
    %get3A_139 = vector.shape_cast %get3A_138 : vector<16xi32> to vector<16xi32>
    %add3A_140 = arith.constant 0 : i32
    %add3A_141 = arith.addi %add3A_136, %add3A_140 : i32
    %add3A_142 = vector.broadcast %add3A_141 : i32 to vector<16xi32>
    %add3A_143 = arith.addi %get3A_139, %add3A_142 : vector<16xi32>
    %swap3A_144 = arith.constant 160 : index
    %swap3A_145 = tpu.vector_load %arg6[%swap3A_144] {strides = array<i32>} : memref<2048xi32, #tpu.memory_space<vmem>>, vector<16xi32>,
    %swap3A_146 = vector.shape_cast %swap3A_145 : vector<16xi32> to vector<16xi32>
    %swap3A_147 = vector.shape_cast %add3A_143 : vector<16xi32> to vector<16xi32>
    tpu.vector_store %arg6[%swap3A_144], %swap3A_147 {strides = array<i32>} : memref<2048xi32, #tpu.memory_space<vmem>>, vector<16xi32>,
    %add3A_148 = arith.constant 131072 : i32
    %add3A_149 = arith.addi %mul3A_6, %add3A_148 : i32
    %get3A_150 = arith.constant 176 : index
    %get3A_151 = tpu.vector_load %arg5[%get3A_150] {strides = array<i32>} : memref<256xi32, #tpu.memory_space<vmem>>, vector<16xi32>,
    %get3A_152 = vector.shape_cast %get3A_151 : vector<16xi32> to vector<16xi32>
    %add3A_153 = arith.constant 0 : i32
    %add3A_154 = arith.addi %add3A_149, %add3A_153 : i32
    %add3A_155 = vector.broadcast %add3A_154 : i32 to vector<16xi32>
    %add3A_156 = arith.addi %get3A_152, %add3A_155 : vector<16xi32>
    %swap3A_157 = arith.constant 176 : index
    %swap3A_158 = tpu.vector_load %arg6[%swap3A_157] {strides = array<i32>} : memref<2048xi32, #tpu.memory_space<vmem>>, vector<16xi32>,
    %swap3A_159 = vector.shape_cast %swap3A_158 : vector<16xi32> to vector<16xi32>
    %swap3A_160 = vector.shape_cast %add3A_156 : vector<16xi32> to vector<16xi32>
    tpu.vector_store %arg6[%swap3A_157], %swap3A_160 {strides = array<i32>} : memref<2048xi32, #tpu.memory_space<vmem>>, vector<16xi32>,
    %add3A_161 = arith.constant 131072 : i32
    %add3A_162 = arith.addi %mul3A_6, %add3A_161 : i32
    %get3A_163 = arith.constant 192 : index
    %get3A_164 = tpu.vector_load %arg5[%get3A_163] {strides = array<i32>} : memref<256xi32, #tpu.memory_space<vmem>>, vector<16xi32>,
    %get3A_165 = vector.shape_cast %get3A_164 : vector<16xi32> to vector<16xi32>
    %add3A_166 = arith.constant 0 : i32
    %add3A_167 = arith.addi %add3A_162, %add3A_166 : i32
    %add3A_168 = vector.broadcast %add3A_167 : i32 to vector<16xi32>
    %add3A_169 = arith.addi %get3A_165, %add3A_168 : vector<16xi32>
    %swap3A_170 = arith.constant 192 : index
    %swap3A_171 = tpu.vector_load %arg6[%swap3A_170] {strides = array<i32>} : memref<2048xi32, #tpu.memory_space<vmem>>, vector<16xi32>,
    %swap3A_172 = vector.shape_cast %swap3A_171 : vector<16xi32> to vector<16xi32>
    %swap3A_173 = vector.shape_cast %add3A_169 : vector<16xi32> to vector<16xi32>
    tpu.vector_store %arg6[%swap3A_170], %swap3A_173 {strides = array<i32>} : memref<2048xi32, #tpu.memory_space<vmem>>, vector<16xi32>,
    %add3A_174 = arith.constant 131072 : i32
    %add3A_175 = arith.addi %mul3A_6, %add3A_174 : i32
    %get3A_176 = arith.constant 208 : index
    %get3A_177 = tpu.vector_load %arg5[%get3A_176] {strides = array<i32>} : memref<256xi32, #tpu.memory_space<vmem>>, vector<16xi32>,
    %get3A_178 = vector.shape_cast %get3A_177 : vector<16xi32> to vector<16xi32>
    %add3A_179 = arith.constant 0 : i32
    %add3A_180 = arith.addi %add3A_175, %add3A_179 : i32
    %add3A_181 = vector.broadcast %add3A_180 : i32 to vector<16xi32>
    %add3A_182 = arith.addi %get3A_178, %add3A_181 : vector<16xi32>
    %swap3A_183 = arith.constant 208 : index
    %swap3A_184 = tpu.vector_load %arg6[%swap3A_183] {strides = array<i32>} : memref<2048xi32, #tpu.memory_space<vmem>>, vector<16xi32>,
    %swap3A_185 = vector.shape_cast %swap3A_184 : vector<16xi32> to vector<16xi32>
    %swap3A_186 = vector.shape_cast %add3A_182 : vector<16xi32> to vector<16xi32>
    tpu.vector_store %arg6[%swap3A_183], %swap3A_186 {strides = array<i32>} : memref<2048xi32, #tpu.memory_space<vmem>>, vector<16xi32>,
    %add3A_187 = arith.constant 131072 : i32
    %add3A_188 = arith.addi %mul3A_6, %add3A_187 : i32
    %get3A_189 = arith.constant 224 : index
    %get3A_190 = tpu.vector_load %arg5[%get3A_189] {strides = array<i32>} : memref<256xi32, #tpu.memory_space<vmem>>, vector<16xi32>,
    %get3A_191 = vector.shape_cast %get3A_190 : vector<16xi32> to vector<16xi32>
    %add3A_192 = arith.constant 0 : i32
    %add3A_193 = arith.addi %add3A_188, %add3A_192 : i32
    %add3A_194 = vector.broadcast %add3A_193 : i32 to vector<16xi32>
    %add3A_195 = arith.addi %get3A_191, %add3A_194 : vector<16xi32>
    %swap3A_196 = arith.constant 224 : index
    %swap3A_197 = tpu.vector_load %arg6[%swap3A_196] {strides = array<i32>} : memref<2048xi32, #tpu.memory_space<vmem>>, vector<16xi32>,
    %swap3A_198 = vector.shape_cast %swap3A_197 : vector<16xi32> to vector<16xi32>
    %swap3A_199 = vector.shape_cast %add3A_195 : vector<16xi32> to vector<16xi32>
    tpu.vector_store %arg6[%swap3A_196], %swap3A_199 {strides = array<i32>} : memref<2048xi32, #tpu.memory_space<vmem>>, vector<16xi32>,
    %add3A_200 = arith.constant 131072 : i32
    %add3A_201 = arith.addi %mul3A_6, %add3A_200 : i32
    %get3A_202 = arith.constant 240 : index
    %get3A_203 = tpu.vector_load %arg5[%get3A_202] {strides = array<i32>} : memref<256xi32, #tpu.memory_space<vmem>>, vector<16xi32>,
    %get3A_204 = vector.shape_cast %get3A_203 : vector<16xi32> to vector<16xi32>
    %add3A_205 = arith.constant 0 : i32
    %add3A_206 = arith.addi %add3A_201, %add3A_205 : i32
    %add3A_207 = vector.broadcast %add3A_206 : i32 to vector<16xi32>
    %add3A_208 = arith.addi %get3A_204, %add3A_207 : vector<16xi32>
    %swap3A_209 = arith.constant 240 : index
    %swap3A_210 = tpu.vector_load %arg6[%swap3A_209] {strides = array<i32>} : memref<2048xi32, #tpu.memory_space<vmem>>, vector<16xi32>,
    %swap3A_211 = vector.shape_cast %swap3A_210 : vector<16xi32> to vector<16xi32>
    %swap3A_212 = vector.shape_cast %add3A_208 : vector<16xi32> to vector<16xi32>
    tpu.vector_store %arg6[%swap3A_209], %swap3A_212 {strides = array<i32>} : memref<2048xi32, #tpu.memory_space<vmem>>, vector<16xi32>,
    %add3A_213 = arith.constant 0 : i32
    %add3A_214 = arith.addi %mul3A_6, %add3A_213 : i32
    %get3A_215 = arith.constant 0 : index
    %get3A_216 = tpu.vector_load %arg5[%get3A_215] {strides = array<i32>} : memref<256xi32, #tpu.memory_space<vmem>>, vector<16xi32>,
    %get3A_217 = vector.shape_cast %get3A_216 : vector<16xi32> to vector<16xi32>
    %add3A_218 = arith.constant 16384 : i32
    %add3A_219 = arith.addi %add3A_214, %add3A_218 : i32
    %add3A_220 = vector.broadcast %add3A_219 : i32 to vector<16xi32>
    %add3A_221 = arith.addi %get3A_217, %add3A_220 : vector<16xi32>
    %swap3A_222 = arith.constant 256 : index
    %swap3A_223 = tpu.vector_load %arg6[%swap3A_222] {strides = array<i32>} : memref<2048xi32, #tpu.memory_space<vmem>>, vector<16xi32>,
    %swap3A_224 = vector.shape_cast %swap3A_223 : vector<16xi32> to vector<16xi32>
    %swap3A_225 = vector.shape_cast %add3A_221 : vector<16xi32> to vector<16xi32>
    tpu.vector_store %arg6[%swap3A_222], %swap3A_225 {strides = array<i32>} : memref<2048xi32, #tpu.memory_space<vmem>>, vector<16xi32>,
    %add3A_226 = arith.constant 0 : i32
    %add3A_227 = arith.addi %mul3A_6, %add3A_226 : i32
    %get3A_228 = arith.constant 16 : index
    %get3A_229 = tpu.vector_load %arg5[%get3A_228] {strides = array<i32>} : memref<256xi32, #tpu.memory_space<vmem>>, vector<16xi32>,
    %get3A_230 = vector.shape_cast %get3A_229 : vector<16xi32> to vector<16xi32>
    %add3A_231 = arith.constant 16384 : i32
    %add3A_232 = arith.addi %add3A_227, %add3A_231 : i32
    %add3A_233 = vector.broadcast %add3A_232 : i32 to vector<16xi32>
    %add3A_234 = arith.addi %get3A_230, %add3A_233 : vector<16xi32>
    %swap3A_235 = arith.constant 272 : index
    %swap3A_236 = tpu.vector_load %arg6[%swap3A_235] {strides = array<i32>} : memref<2048xi32, #tpu.memory_space<vmem>>, vector<16xi32>,
    %swap3A_237 = vector.shape_cast %swap3A_236 : vector<16xi32> to vector<16xi32>
    %swap3A_238 = vector.shape_cast %add3A_234 : vector<16xi32> to vector<16xi32>
    tpu.vector_store %arg6[%swap3A_235], %swap3A_238 {strides = array<i32>} : memref<2048xi32, #tpu.memory_space<vmem>>, vector<16xi32>,
    %add3A_239 = arith.constant 0 : i32
    %add3A_240 = arith.addi %mul3A_6, %add3A_239 : i32
    %get3A_241 = arith.constant 32 : index
    %get3A_242 = tpu.vector_load %arg5[%get3A_241] {strides = array<i32>} : memref<256xi32, #tpu.memory_space<vmem>>, vector<16xi32>,
    %get3A_243 = vector.shape_cast %get3A_242 : vector<16xi32> to vector<16xi32>
    %add3A_244 = arith.constant 16384 : i32
    %add3A_245 = arith.addi %add3A_240, %add3A_244 : i32
    %add3A_246 = vector.broadcast %add3A_245 : i32 to vector<16xi32>
    %add3A_247 = arith.addi %get3A_243, %add3A_246 : vector<16xi32>
    %swap3A_248 = arith.constant 288 : index
    %swap3A_249 = tpu.vector_load %arg6[%swap3A_248] {strides = array<i32>} : memref<2048xi32, #tpu.memory_space<vmem>>, vector<16xi32>,
    %swap3A_250 = vector.shape_cast %swap3A_249 : vector<16xi32> to vector<16xi32>
    %swap3A_251 = vector.shape_cast %add3A_247 : vector<16xi32> to vector<16xi32>
    tpu.vector_store %arg6[%swap3A_248], %swap3A_251 {strides = array<i32>} : memref<2048xi32, #tpu.memory_space<vmem>>, vector<16xi32>,
    %add3A_252 = arith.constant 0 : i32
    %add3A_253 = arith.addi %mul3A_6, %add3A_252 : i32
    %get3A_254 = arith.constant 48 : index
    %get3A_255 = tpu.vector_load %arg5[%get3A_254] {strides = array<i32>} : memref<256xi32, #tpu.memory_space<vmem>>, vector<16xi32>,
    %get3A_256 = vector.shape_cast %get3A_255 : vector<16xi32> to vector<16xi32>
    %add3A_257 = arith.constant 16384 : i32
    %add3A_258 = arith.addi %add3A_253, %add3A_257 : i32
    %add3A_259 = vector.broadcast %add3A_258 : i32 to vector<16xi32>
    %add3A_260 = arith.addi %get3A_256, %add3A_259 : vector<16xi32>
    %swap3A_261 = arith.constant 304 : index
    %swap3A_262 = tpu.vector_load %arg6[%swap3A_261] {strides = array<i32>} : memref<2048xi32, #tpu.memory_space<vmem>>, vector<16xi32>,
    %swap3A_263 = vector.shape_cast %swap3A_262 : vector<16xi32> to vector<16xi32>
    %swap3A_264 = vector.shape_cast %add3A_260 : vector<16xi32> to vector<16xi32>
    tpu.vector_store %arg6[%swap3A_261], %swap3A_264 {strides = array<i32>} : memref<2048xi32, #tpu.memory_space<vmem>>, vector<16xi32>,
    %add3A_265 = arith.constant 0 : i32
    %add3A_266 = arith.addi %mul3A_6, %add3A_265 : i32
    %get3A_267 = arith.constant 64 : index
    %get3A_268 = tpu.vector_load %arg5[%get3A_267] {strides = array<i32>} : memref<256xi32, #tpu.memory_space<vmem>>, vector<16xi32>,
    %get3A_269 = vector.shape_cast %get3A_268 : vector<16xi32> to vector<16xi32>
    %add3A_270 = arith.constant 16384 : i32
    %add3A_271 = arith.addi %add3A_266, %add3A_270 : i32
    %add3A_272 = vector.broadcast %add3A_271 : i32 to vector<16xi32>
    %add3A_273 = arith.addi %get3A_269, %add3A_272 : vector<16xi32>
    %swap3A_274 = arith.constant 320 : index
    %swap3A_275 = tpu.vector_load %arg6[%swap3A_274] {strides = array<i32>} : memref<2048xi32, #tpu.memory_space<vmem>>, vector<16xi32>,
    %swap3A_276 = vector.shape_cast %swap3A_275 : vector<16xi32> to vector<16xi32>
    %swap3A_277 = vector.shape_cast %add3A_273 : vector<16xi32> to vector<16xi32>
    tpu.vector_store %arg6[%swap3A_274], %swap3A_277 {strides = array<i32>} : memref<2048xi32, #tpu.memory_space<vmem>>, vector<16xi32>,
    %add3A_278 = arith.constant 0 : i32
    %add3A_279 = arith.addi %mul3A_6, %add3A_278 : i32
    %get3A_280 = arith.constant 80 : index
    %get3A_281 = tpu.vector_load %arg5[%get3A_280] {strides = array<i32>} : memref<256xi32, #tpu.memory_space<vmem>>, vector<16xi32>,
    %get3A_282 = vector.shape_cast %get3A_281 : vector<16xi32> to vector<16xi32>
    %add3A_283 = arith.constant 16384 : i32
    %add3A_284 = arith.addi %add3A_279, %add3A_283 : i32
    %add3A_285 = vector.broadcast %add3A_284 : i32 to vector<16xi32>
    %add3A_286 = arith.addi %get3A_282, %add3A_285 : vector<16xi32>
    %swap3A_287 = arith.constant 336 : index
    %swap3A_288 = tpu.vector_load %arg6[%swap3A_287] {strides = array<i32>} : memref<2048xi32, #tpu.memory_space<vmem>>, vector<16xi32>,
    %swap3A_289 = vector.shape_cast %swap3A_288 : vector<16xi32> to vector<16xi32>
    %swap3A_290 = vector.shape_cast %add3A_286 : vector<16xi32> to vector<16xi32>
    tpu.vector_store %arg6[%swap3A_287], %swap3A_290 {strides = array<i32>} : memref<2048xi32, #tpu.memory_space<vmem>>, vector<16xi32>,
    %add3A_291 = arith.constant 0 : i32
    %add3A_292 = arith.addi %mul3A_6, %add3A_291 : i32
    %get3A_293 = arith.constant 96 : index
    %get3A_294 = tpu.vector_load %arg5[%get3A_293] {strides = array<i32>} : memref<256xi32, #tpu.memory_space<vmem>>, vector<16xi32>,
    %get3A_295 = vector.shape_cast %get3A_294 : vector<16xi32> to vector<16xi32>
    %add3A_296 = arith.constant 16384 : i32
    %add3A_297 = arith.addi %add3A_292, %add3A_296 : i32
    %add3A_298 = vector.broadcast %add3A_297 : i32 to vector<16xi32>
    %add3A_299 = arith.addi %get3A_295, %add3A_298 : vector<16xi32>
    %swap3A_300 = arith.constant 352 : index
    %swap3A_301 = tpu.vector_load %arg6[%swap3A_300] {strides = array<i32>} : memref<2048xi32, #tpu.memory_space<vmem>>, vector<16xi32>,
    %swap3A_302 = vector.shape_cast %swap3A_301 : vector<16xi32> to vector<16xi32>
    %swap3A_303 = vector.shape_cast %add3A_299 : vector<16xi32> to vector<16xi32>
    tpu.vector_store %arg6[%swap3A_300], %swap3A_303 {strides = array<i32>} : memref<2048xi32, #tpu.memory_space<vmem>>, vector<16xi32>,
    %add3A_304 = arith.constant 0 : i32
    %add3A_305 = arith.addi %mul3A_6, %add3A_304 : i32
    %get3A_306 = arith.constant 112 : index
    %get3A_307 = tpu.vector_load %arg5[%get3A_306] {strides = array<i32>} : memref<256xi32, #tpu.memory_space<vmem>>, vector<16xi32>,
    %get3A_308 = vector.shape_cast %get3A_307 : vector<16xi32> to vector<16xi32>
    %add3A_309 = arith.constant 16384 : i32
    %add3A_310 = arith.addi %add3A_305, %add3A_309 : i32
    %add3A_311 = vector.broadcast %add3A_310 : i32 to vector<16xi32>
    %add3A_312 = arith.addi %get3A_308, %add3A_311 : vector<16xi32>
    %swap3A_313 = arith.constant 368 : index
    %swap3A_314 = tpu.vector_load %arg6[%swap3A_313] {strides = array<i32>} : memref<2048xi32, #tpu.memory_space<vmem>>, vector<16xi32>,
    %swap3A_315 = vector.shape_cast %swap3A_314 : vector<16xi32> to vector<16xi32>
    %swap3A_316 = vector.shape_cast %add3A_312 : vector<16xi32> to vector<16xi32>
    tpu.vector_store %arg6[%swap3A_313], %swap3A_316 {strides = array<i32>} : memref<2048xi32, #tpu.memory_space<vmem>>, vector<16xi32>,
    %add3A_317 = arith.constant 131072 : i32
    %add3A_318 = arith.addi %mul3A_6, %add3A_317 : i32
    %get3A_319 = arith.constant 128 : index
    %get3A_320 = tpu.vector_load %arg5[%get3A_319] {strides = array<i32>} : memref<256xi32, #tpu.memory_space<vmem>>, vector<16xi32>,
    %get3A_321 = vector.shape_cast %get3A_320 : vector<16xi32> to vector<16xi32>
    %add3A_322 = arith.constant 16384 : i32
    %add3A_323 = arith.addi %add3A_318, %add3A_322 : i32
    %add3A_324 = vector.broadcast %add3A_323 : i32 to vector<16xi32>
    %add3A_325 = arith.addi %get3A_321, %add3A_324 : vector<16xi32>
    %swap3A_326 = arith.constant 384 : index
    %swap3A_327 = tpu.vector_load %arg6[%swap3A_326] {strides = array<i32>} : memref<2048xi32, #tpu.memory_space<vmem>>, vector<16xi32>,
    %swap3A_328 = vector.shape_cast %swap3A_327 : vector<16xi32> to vector<16xi32>
    %swap3A_329 = vector.shape_cast %add3A_325 : vector<16xi32> to vector<16xi32>
    tpu.vector_store %arg6[%swap3A_326], %swap3A_329 {strides = array<i32>} : memref<2048xi32, #tpu.memory_space<vmem>>, vector<16xi32>,
    %add3A_330 = arith.constant 131072 : i32
    %add3A_331 = arith.addi %mul3A_6, %add3A_330 : i32
    %get3A_332 = arith.constant 144 : index
    %get3A_333 = tpu.vector_load %arg5[%get3A_332] {strides = array<i32>} : memref<256xi32, #tpu.memory_space<vmem>>, vector<16xi32>,
    %get3A_334 = vector.shape_cast %get3A_333 : vector<16xi32> to vector<16xi32>
    %add3A_335 = arith.constant 16384 : i32
    %add3A_336 = arith.addi %add3A_331, %add3A_335 : i32
    %add3A_337 = vector.broadcast %add3A_336 : i32 to vector<16xi32>
    %add3A_338 = arith.addi %get3A_334, %add3A_337 : vector<16xi32>
    %swap3A_339 = arith.constant 400 : index
    %swap3A_340 = tpu.vector_load %arg6[%swap3A_339] {strides = array<i32>} : memref<2048xi32, #tpu.memory_space<vmem>>, vector<16xi32>,
    %swap3A_341 = vector.shape_cast %swap3A_340 : vector<16xi32> to vector<16xi32>
    %swap3A_342 = vector.shape_cast %add3A_338 : vector<16xi32> to vector<16xi32>
    tpu.vector_store %arg6[%swap3A_339], %swap3A_342 {strides = array<i32>} : memref<2048xi32, #tpu.memory_space<vmem>>, vector<16xi32>,
    %add3A_343 = arith.constant 131072 : i32
    %add3A_344 = arith.addi %mul3A_6, %add3A_343 : i32
    %get3A_345 = arith.constant 160 : index
    %get3A_346 = tpu.vector_load %arg5[%get3A_345] {strides = array<i32>} : memref<256xi32, #tpu.memory_space<vmem>>, vector<16xi32>,
    %get3A_347 = vector.shape_cast %get3A_346 : vector<16xi32> to vector<16xi32>
    %add3A_348 = arith.constant 16384 : i32
    %add3A_349 = arith.addi %add3A_344, %add3A_348 : i32
    %add3A_350 = vector.broadcast %add3A_349 : i32 to vector<16xi32>
    %add3A_351 = arith.addi %get3A_347, %add3A_350 : vector<16xi32>
    %swap3A_352 = arith.constant 416 : index
    %swap3A_353 = tpu.vector_load %arg6[%swap3A_352] {strides = array<i32>} : memref<2048xi32, #tpu.memory_space<vmem>>, vector<16xi32>,
    %swap3A_354 = vector.shape_cast %swap3A_353 : vector<16xi32> to vector<16xi32>
    %swap3A_355 = vector.shape_cast %add3A_351 : vector<16xi32> to vector<16xi32>
    tpu.vector_store %arg6[%swap3A_352], %swap3A_355 {strides = array<i32>} : memref<2048xi32, #tpu.memory_space<vmem>>, vector<16xi32>,
    %add3A_356 = arith.constant 131072 : i32
    %add3A_357 = arith.addi %mul3A_6, %add3A_356 : i32
    %get3A_358 = arith.constant 176 : index
    %get3A_359 = tpu.vector_load %arg5[%get3A_358] {strides = array<i32>} : memref<256xi32, #tpu.memory_space<vmem>>, vector<16xi32>,
    %get3A_360 = vector.shape_cast %get3A_359 : vector<16xi32> to vector<16xi32>
    %add3A_361 = arith.constant 16384 : i32
    %add3A_362 = arith.addi %add3A_357, %add3A_361 : i32
    %add3A_363 = vector.broadcast %add3A_362 : i32 to vector<16xi32>
    %add3A_364 = arith.addi %get3A_360, %add3A_363 : vector<16xi32>
    %swap3A_365 = arith.constant 432 : index
    %swap3A_366 = tpu.vector_load %arg6[%swap3A_365] {strides = array<i32>} : memref<2048xi32, #tpu.memory_space<vmem>>, vector<16xi32>,
    %swap3A_367 = vector.shape_cast %swap3A_366 : vector<16xi32> to vector<16xi32>
    %swap3A_368 = vector.shape_cast %add3A_364 : vector<16xi32> to vector<16xi32>
    tpu.vector_store %arg6[%swap3A_365], %swap3A_368 {strides = array<i32>} : memref<2048xi32, #tpu.memory_space<vmem>>, vector<16xi32>,
    %add3A_369 = arith.constant 131072 : i32
    %add3A_370 = arith.addi %mul3A_6, %add3A_369 : i32
    %get3A_371 = arith.constant 192 : index
    %get3A_372 = tpu.vector_load %arg5[%get3A_371] {strides = array<i32>} : memref<256xi32, #tpu.memory_space<vmem>>, vector<16xi32>,
    %get3A_373 = vector.shape_cast %get3A_372 : vector<16xi32> to vector<16xi32>
    %add3A_374 = arith.constant 16384 : i32
    %add3A_375 = arith.addi %add3A_370, %add3A_374 : i32
    %add3A_376 = vector.broadcast %add3A_375 : i32 to vector<16xi32>
    %add3A_377 = arith.addi %get3A_373, %add3A_376 : vector<16xi32>
    %swap3A_378 = arith.constant 448 : index
    %swap3A_379 = tpu.vector_load %arg6[%swap3A_378] {strides = array<i32>} : memref<2048xi32, #tpu.memory_space<vmem>>, vector<16xi32>,
    %swap3A_380 = vector.shape_cast %swap3A_379 : vector<16xi32> to vector<16xi32>
    %swap3A_381 = vector.shape_cast %add3A_377 : vector<16xi32> to vector<16xi32>
    tpu.vector_store %arg6[%swap3A_378], %swap3A_381 {strides = array<i32>} : memref<2048xi32, #tpu.memory_space<vmem>>, vector<16xi32>,
    %add3A_382 = arith.constant 131072 : i32
    %add3A_383 = arith.addi %mul3A_6, %add3A_382 : i32
    %get3A_384 = arith.constant 208 : index
    %get3A_385 = tpu.vector_load %arg5[%get3A_384] {strides = array<i32>} : memref<256xi32, #tpu.memory_space<vmem>>, vector<16xi32>,
    %get3A_386 = vector.shape_cast %get3A_385 : vector<16xi32> to vector<16xi32>
    %add3A_387 = arith.constant 16384 : i32
    %add3A_388 = arith.addi %add3A_383, %add3A_387 : i32
    %add3A_389 = vector.broadcast %add3A_388 : i32 to vector<16xi32>
    %add3A_390 = arith.addi %get3A_386, %add3A_389 : vector<16xi32>
    %swap3A_391 = arith.constant 464 : index
    %swap3A_392 = tpu.vector_load %arg6[%swap3A_391] {strides = array<i32>} : memref<2048xi32, #tpu.memory_space<vmem>>, vector<16xi32>,
    %swap3A_393 = vector.shape_cast %swap3A_392 : vector<16xi32> to vector<16xi32>
    %swap3A_394 = vector.shape_cast %add3A_390 : vector<16xi32> to vector<16xi32>
    tpu.vector_store %arg6[%swap3A_391], %swap3A_394 {strides = array<i32>} : memref<2048xi32, #tpu.memory_space<vmem>>, vector<16xi32>,
    %add3A_395 = arith.constant 131072 : i32
    %add3A_396 = arith.addi %mul3A_6, %add3A_395 : i32
    %get3A_397 = arith.constant 224 : index
    %get3A_398 = tpu.vector_load %arg5[%get3A_397] {strides = array<i32>} : memref<256xi32, #tpu.memory_space<vmem>>, vector<16xi32>,
    %get3A_399 = vector.shape_cast %get3A_398 : vector<16xi32> to vector<16xi32>
    %add3A_400 = arith.constant 16384 : i32
    %add3A_401 = arith.addi %add3A_396, %add3A_400 : i32
    %add3A_402 = vector.broadcast %add3A_401 : i32 to vector<16xi32>
    %add3A_403 = arith.addi %get3A_399, %add3A_402 : vector<16xi32>
    %swap3A_404 = arith.constant 480 : index
    %swap3A_405 = tpu.vector_load %arg6[%swap3A_404] {strides = array<i32>} : memref<2048xi32, #tpu.memory_space<vmem>>, vector<16xi32>,
    %swap3A_406 = vector.shape_cast %swap3A_405 : vector<16xi32> to vector<16xi32>
    %swap3A_407 = vector.shape_cast %add3A_403 : vector<16xi32> to vector<16xi32>
    tpu.vector_store %arg6[%swap3A_404], %swap3A_407 {strides = array<i32>} : memref<2048xi32, #tpu.memory_space<vmem>>, vector<16xi32>,
    %add3A_408 = arith.constant 131072 : i32
    %add3A_409 = arith.addi %mul3A_6, %add3A_408 : i32
    %get3A_410 = arith.constant 240 : index
    %get3A_411 = tpu.vector_load %arg5[%get3A_410] {strides = array<i32>} : memref<256xi32, #tpu.memory_space<vmem>>, vector<16xi32>,
    %get3A_412 = vector.shape_cast %get3A_411 : vector<16xi32> to vector<16xi32>
    %add3A_413 = arith.constant 16384 : i32
    %add3A_414 = arith.addi %add3A_409, %add3A_413 : i32
    %add3A_415 = vector.broadcast %add3A_414 : i32 to vector<16xi32>
    %add3A_416 = arith.addi %get3A_412, %add3A_415 : vector<16xi32>
    %swap3A_417 = arith.constant 496 : index
    %swap3A_418 = tpu.vector_load %arg6[%swap3A_417] {strides = array<i32>} : memref<2048xi32, #tpu.memory_space<vmem>>, vector<16xi32>,
    %swap3A_419 = vector.shape_cast %swap3A_418 : vector<16xi32> to vector<16xi32>
    %swap3A_420 = vector.shape_cast %add3A_416 : vector<16xi32> to vector<16xi32>
    tpu.vector_store %arg6[%swap3A_417], %swap3A_420 {strides = array<i32>} : memref<2048xi32, #tpu.memory_space<vmem>>, vector<16xi32>,
    %dma_start3A = arith.constant 0 : i32
    %dma_start3A_421 = tpu.memref_slice %arg7[%dma_start3A] : memref<2048xf32, #tpu.memory_space<vmem>> -> memref<512xf32, #tpu.memory_space<vmem>>
    %dma_start3A_422 = arith.constant 0 : i32
    %dma_start3A_423 = tpu.memref_slice %arg6[%dma_start3A_422] : memref<2048xi32, #tpu.memory_space<vmem>> -> memref<512xi32, #tpu.memory_space<vmem>>
    %dma_start3A_424 = arith.constant 0 : i32
    %dma_start3A_425 = tpu.memref_slice %arg2[%dma_start3A_424] : memref<8388608xf32, #tpu.memory_space<hbm>> -> memref<8388608xf32, #tpu.memory_space<hbm>>
    tpu.enqueue_indirect_dma source(%dma_start3A_425 : memref<8388608xf32, #tpu.memory_space<hbm>>) target(%dma_start3A_421 : memref<512xf32, #tpu.memory_space<vmem>>) offsets(%dma_start3A_423 : memref<512xi32, #tpu.memory_space<vmem>>) semaphore(%arg8 : memref<!tpu.dma_semaphore, #tpu.memory_space<semaphore_mem>>)
    %add3A_426 = arith.constant 0 : i32
    %add3A_427 = arith.addi %mul3A_6, %add3A_426 : i32
    %get3A_428 = arith.constant 0 : index
    %get3A_429 = tpu.vector_load %arg5[%get3A_428] {strides = array<i32>} : memref<256xi32, #tpu.memory_space<vmem>>, vector<16xi32>,
    %get3A_430 = vector.shape_cast %get3A_429 : vector<16xi32> to vector<16xi32>
    %add3A_431 = arith.constant 32768 : i32
    %add3A_432 = arith.addi %add3A_427, %add3A_431 : i32
    %add3A_433 = vector.broadcast %add3A_432 : i32 to vector<16xi32>
    %add3A_434 = arith.addi %get3A_430, %add3A_433 : vector<16xi32>
    %swap3A_435 = arith.constant 512 : index
    %swap3A_436 = tpu.vector_load %arg6[%swap3A_435] {strides = array<i32>} : memref<2048xi32, #tpu.memory_space<vmem>>, vector<16xi32>,
    %swap3A_437 = vector.shape_cast %swap3A_436 : vector<16xi32> to vector<16xi32>
    %swap3A_438 = vector.shape_cast %add3A_434 : vector<16xi32> to vector<16xi32>
    tpu.vector_store %arg6[%swap3A_435], %swap3A_438 {strides = array<i32>} : memref<2048xi32, #tpu.memory_space<vmem>>, vector<16xi32>,
    %add3A_439 = arith.constant 0 : i32
    %add3A_440 = arith.addi %mul3A_6, %add3A_439 : i32
    %get3A_441 = arith.constant 16 : index
    %get3A_442 = tpu.vector_load %arg5[%get3A_441] {strides = array<i32>} : memref<256xi32, #tpu.memory_space<vmem>>, vector<16xi32>,
    %get3A_443 = vector.shape_cast %get3A_442 : vector<16xi32> to vector<16xi32>
    %add3A_444 = arith.constant 32768 : i32
    %add3A_445 = arith.addi %add3A_440, %add3A_444 : i32
    %add3A_446 = vector.broadcast %add3A_445 : i32 to vector<16xi32>
    %add3A_447 = arith.addi %get3A_443, %add3A_446 : vector<16xi32>
    %swap3A_448 = arith.constant 528 : index
    %swap3A_449 = tpu.vector_load %arg6[%swap3A_448] {strides = array<i32>} : memref<2048xi32, #tpu.memory_space<vmem>>, vector<16xi32>,
    %swap3A_450 = vector.shape_cast %swap3A_449 : vector<16xi32> to vector<16xi32>
    %swap3A_451 = vector.shape_cast %add3A_447 : vector<16xi32> to vector<16xi32>
    tpu.vector_store %arg6[%swap3A_448], %swap3A_451 {strides = array<i32>} : memref<2048xi32, #tpu.memory_space<vmem>>, vector<16xi32>,
    %add3A_452 = arith.constant 0 : i32
    %add3A_453 = arith.addi %mul3A_6, %add3A_452 : i32
    %get3A_454 = arith.constant 32 : index
    %get3A_455 = tpu.vector_load %arg5[%get3A_454] {strides = array<i32>} : memref<256xi32, #tpu.memory_space<vmem>>, vector<16xi32>,
    %get3A_456 = vector.shape_cast %get3A_455 : vector<16xi32> to vector<16xi32>
    %add3A_457 = arith.constant 32768 : i32
    %add3A_458 = arith.addi %add3A_453, %add3A_457 : i32
    %add3A_459 = vector.broadcast %add3A_458 : i32 to vector<16xi32>
    %add3A_460 = arith.addi %get3A_456, %add3A_459 : vector<16xi32>
    %swap3A_461 = arith.constant 544 : index
    %swap3A_462 = tpu.vector_load %arg6[%swap3A_461] {strides = array<i32>} : memref<2048xi32, #tpu.memory_space<vmem>>, vector<16xi32>,
    %swap3A_463 = vector.shape_cast %swap3A_462 : vector<16xi32> to vector<16xi32>
    %swap3A_464 = vector.shape_cast %add3A_460 : vector<16xi32> to vector<16xi32>
    tpu.vector_store %arg6[%swap3A_461], %swap3A_464 {strides = array<i32>} : memref<2048xi32, #tpu.memory_space<vmem>>, vector<16xi32>,
    %add3A_465 = arith.constant 0 : i32
    %add3A_466 = arith.addi %mul3A_6, %add3A_465 : i32
    %get3A_467 = arith.constant 48 : index
    %get3A_468 = tpu.vector_load %arg5[%get3A_467] {strides = array<i32>} : memref<256xi32, #tpu.memory_space<vmem>>, vector<16xi32>,
    %get3A_469 = vector.shape_cast %get3A_468 : vector<16xi32> to vector<16xi32>
    %add3A_470 = arith.constant 32768 : i32
    %add3A_471 = arith.addi %add3A_466, %add3A_470 : i32
    %add3A_472 = vector.broadcast %add3A_471 : i32 to vector<16xi32>
    %add3A_473 = arith.addi %get3A_469, %add3A_472 : vector<16xi32>
    %swap3A_474 = arith.constant 560 : index
    %swap3A_475 = tpu.vector_load %arg6[%swap3A_474] {strides = array<i32>} : memref<2048xi32, #tpu.memory_space<vmem>>, vector<16xi32>,
    %swap3A_476 = vector.shape_cast %swap3A_475 : vector<16xi32> to vector<16xi32>
    %swap3A_477 = vector.shape_cast %add3A_473 : vector<16xi32> to vector<16xi32>
    tpu.vector_store %arg6[%swap3A_474], %swap3A_477 {strides = array<i32>} : memref<2048xi32, #tpu.memory_space<vmem>>, vector<16xi32>,
    %add3A_478 = arith.constant 0 : i32
    %add3A_479 = arith.addi %mul3A_6, %add3A_478 : i32
    %get3A_480 = arith.constant 64 : index
    %get3A_481 = tpu.vector_load %arg5[%get3A_480] {strides = array<i32>} : memref<256xi32, #tpu.memory_space<vmem>>, vector<16xi32>,
    %get3A_482 = vector.shape_cast %get3A_481 : vector<16xi32> to vector<16xi32>
    %add3A_483 = arith.constant 32768 : i32
    %add3A_484 = arith.addi %add3A_479, %add3A_483 : i32
    %add3A_485 = vector.broadcast %add3A_484 : i32 to vector<16xi32>
    %add3A_486 = arith.addi %get3A_482, %add3A_485 : vector<16xi32>
    %swap3A_487 = arith.constant 576 : index
    %swap3A_488 = tpu.vector_load %arg6[%swap3A_487] {strides = array<i32>} : memref<2048xi32, #tpu.memory_space<vmem>>, vector<16xi32>,
    %swap3A_489 = vector.shape_cast %swap3A_488 : vector<16xi32> to vector<16xi32>
    %swap3A_490 = vector.shape_cast %add3A_486 : vector<16xi32> to vector<16xi32>
    tpu.vector_store %arg6[%swap3A_487], %swap3A_490 {strides = array<i32>} : memref<2048xi32, #tpu.memory_space<vmem>>, vector<16xi32>,
    %add3A_491 = arith.constant 0 : i32
    %add3A_492 = arith.addi %mul3A_6, %add3A_491 : i32
    %get3A_493 = arith.constant 80 : index
    %get3A_494 = tpu.vector_load %arg5[%get3A_493] {strides = array<i32>} : memref<256xi32, #tpu.memory_space<vmem>>, vector<16xi32>,
    %get3A_495 = vector.shape_cast %get3A_494 : vector<16xi32> to vector<16xi32>
    %add3A_496 = arith.constant 32768 : i32
    %add3A_497 = arith.addi %add3A_492, %add3A_496 : i32
    %add3A_498 = vector.broadcast %add3A_497 : i32 to vector<16xi32>
    %add3A_499 = arith.addi %get3A_495, %add3A_498 : vector<16xi32>
    %swap3A_500 = arith.constant 592 : index
    %swap3A_501 = tpu.vector_load %arg6[%swap3A_500] {strides = array<i32>} : memref<2048xi32, #tpu.memory_space<vmem>>, vector<16xi32>,
    %swap3A_502 = vector.shape_cast %swap3A_501 : vector<16xi32> to vector<16xi32>
    %swap3A_503 = vector.shape_cast %add3A_499 : vector<16xi32> to vector<16xi32>
    tpu.vector_store %arg6[%swap3A_500], %swap3A_503 {strides = array<i32>} : memref<2048xi32, #tpu.memory_space<vmem>>, vector<16xi32>,
    %add3A_504 = arith.constant 0 : i32
    %add3A_505 = arith.addi %mul3A_6, %add3A_504 : i32
    %get3A_506 = arith.constant 96 : index
    %get3A_507 = tpu.vector_load %arg5[%get3A_506] {strides = array<i32>} : memref<256xi32, #tpu.memory_space<vmem>>, vector<16xi32>,
    %get3A_508 = vector.shape_cast %get3A_507 : vector<16xi32> to vector<16xi32>
    %add3A_509 = arith.constant 32768 : i32
    %add3A_510 = arith.addi %add3A_505, %add3A_509 : i32
    %add3A_511 = vector.broadcast %add3A_510 : i32 to vector<16xi32>
    %add3A_512 = arith.addi %get3A_508, %add3A_511 : vector<16xi32>
    %swap3A_513 = arith.constant 608 : index
    %swap3A_514 = tpu.vector_load %arg6[%swap3A_513] {strides = array<i32>} : memref<2048xi32, #tpu.memory_space<vmem>>, vector<16xi32>,
    %swap3A_515 = vector.shape_cast %swap3A_514 : vector<16xi32> to vector<16xi32>
    %swap3A_516 = vector.shape_cast %add3A_512 : vector<16xi32> to vector<16xi32>
    tpu.vector_store %arg6[%swap3A_513], %swap3A_516 {strides = array<i32>} : memref<2048xi32, #tpu.memory_space<vmem>>, vector<16xi32>,
    %add3A_517 = arith.constant 0 : i32
    %add3A_518 = arith.addi %mul3A_6, %add3A_517 : i32
    %get3A_519 = arith.constant 112 : index
    %get3A_520 = tpu.vector_load %arg5[%get3A_519] {strides = array<i32>} : memref<256xi32, #tpu.memory_space<vmem>>, vector<16xi32>,
    %get3A_521 = vector.shape_cast %get3A_520 : vector<16xi32> to vector<16xi32>
    %add3A_522 = arith.constant 32768 : i32
    %add3A_523 = arith.addi %add3A_518, %add3A_522 : i32
    %add3A_524 = vector.broadcast %add3A_523 : i32 to vector<16xi32>
    %add3A_525 = arith.addi %get3A_521, %add3A_524 : vector<16xi32>
    %swap3A_526 = arith.constant 624 : index
    %swap3A_527 = tpu.vector_load %arg6[%swap3A_526] {strides = array<i32>} : memref<2048xi32, #tpu.memory_space<vmem>>, vector<16xi32>,
    %swap3A_528 = vector.shape_cast %swap3A_527 : vector<16xi32> to vector<16xi32>
    %swap3A_529 = vector.shape_cast %add3A_525 : vector<16xi32> to vector<16xi32>
    tpu.vector_store %arg6[%swap3A_526], %swap3A_529 {strides = array<i32>} : memref<2048xi32, #tpu.memory_space<vmem>>, vector<16xi32>,
    %add3A_530 = arith.constant 131072 : i32
    %add3A_531 = arith.addi %mul3A_6, %add3A_530 : i32
    %get3A_532 = arith.constant 128 : index
    %get3A_533 = tpu.vector_load %arg5[%get3A_532] {strides = array<i32>} : memref<256xi32, #tpu.memory_space<vmem>>, vector<16xi32>,
    %get3A_534 = vector.shape_cast %get3A_533 : vector<16xi32> to vector<16xi32>
    %add3A_535 = arith.constant 32768 : i32
    %add3A_536 = arith.addi %add3A_531, %add3A_535 : i32
    %add3A_537 = vector.broadcast %add3A_536 : i32 to vector<16xi32>
    %add3A_538 = arith.addi %get3A_534, %add3A_537 : vector<16xi32>
    %swap3A_539 = arith.constant 640 : index
    %swap3A_540 = tpu.vector_load %arg6[%swap3A_539] {strides = array<i32>} : memref<2048xi32, #tpu.memory_space<vmem>>, vector<16xi32>,
    %swap3A_541 = vector.shape_cast %swap3A_540 : vector<16xi32> to vector<16xi32>
    %swap3A_542 = vector.shape_cast %add3A_538 : vector<16xi32> to vector<16xi32>
    tpu.vector_store %arg6[%swap3A_539], %swap3A_542 {strides = array<i32>} : memref<2048xi32, #tpu.memory_space<vmem>>, vector<16xi32>,
    %add3A_543 = arith.constant 131072 : i32
    %add3A_544 = arith.addi %mul3A_6, %add3A_543 : i32
    %get3A_545 = arith.constant 144 : index
    %get3A_546 = tpu.vector_load %arg5[%get3A_545] {strides = array<i32>} : memref<256xi32, #tpu.memory_space<vmem>>, vector<16xi32>,
    %get3A_547 = vector.shape_cast %get3A_546 : vector<16xi32> to vector<16xi32>
    %add3A_548 = arith.constant 32768 : i32
    %add3A_549 = arith.addi %add3A_544, %add3A_548 : i32
    %add3A_550 = vector.broadcast %add3A_549 : i32 to vector<16xi32>
    %add3A_551 = arith.addi %get3A_547, %add3A_550 : vector<16xi32>
    %swap3A_552 = arith.constant 656 : index
    %swap3A_553 = tpu.vector_load %arg6[%swap3A_552] {strides = array<i32>} : memref<2048xi32, #tpu.memory_space<vmem>>, vector<16xi32>,
    %swap3A_554 = vector.shape_cast %swap3A_553 : vector<16xi32> to vector<16xi32>
    %swap3A_555 = vector.shape_cast %add3A_551 : vector<16xi32> to vector<16xi32>
    tpu.vector_store %arg6[%swap3A_552], %swap3A_555 {strides = array<i32>} : memref<2048xi32, #tpu.memory_space<vmem>>, vector<16xi32>,
    %add3A_556 = arith.constant 131072 : i32
    %add3A_557 = arith.addi %mul3A_6, %add3A_556 : i32
    %get3A_558 = arith.constant 160 : index
    %get3A_559 = tpu.vector_load %arg5[%get3A_558] {strides = array<i32>} : memref<256xi32, #tpu.memory_space<vmem>>, vector<16xi32>,
    %get3A_560 = vector.shape_cast %get3A_559 : vector<16xi32> to vector<16xi32>
    %add3A_561 = arith.constant 32768 : i32
    %add3A_562 = arith.addi %add3A_557, %add3A_561 : i32
    %add3A_563 = vector.broadcast %add3A_562 : i32 to vector<16xi32>
    %add3A_564 = arith.addi %get3A_560, %add3A_563 : vector<16xi32>
    %swap3A_565 = arith.constant 672 : index
    %swap3A_566 = tpu.vector_load %arg6[%swap3A_565] {strides = array<i32>} : memref<2048xi32, #tpu.memory_space<vmem>>, vector<16xi32>,
    %swap3A_567 = vector.shape_cast %swap3A_566 : vector<16xi32> to vector<16xi32>
    %swap3A_568 = vector.shape_cast %add3A_564 : vector<16xi32> to vector<16xi32>
    tpu.vector_store %arg6[%swap3A_565], %swap3A_568 {strides = array<i32>} : memref<2048xi32, #tpu.memory_space<vmem>>, vector<16xi32>,
    %add3A_569 = arith.constant 131072 : i32
    %add3A_570 = arith.addi %mul3A_6, %add3A_569 : i32
    %get3A_571 = arith.constant 176 : index
    %get3A_572 = tpu.vector_load %arg5[%get3A_571] {strides = array<i32>} : memref<256xi32, #tpu.memory_space<vmem>>, vector<16xi32>,
    %get3A_573 = vector.shape_cast %get3A_572 : vector<16xi32> to vector<16xi32>
    %add3A_574 = arith.constant 32768 : i32
    %add3A_575 = arith.addi %add3A_570, %add3A_574 : i32
    %add3A_576 = vector.broadcast %add3A_575 : i32 to vector<16xi32>
    %add3A_577 = arith.addi %get3A_573, %add3A_576 : vector<16xi32>
    %swap3A_578 = arith.constant 688 : index
    %swap3A_579 = tpu.vector_load %arg6[%swap3A_578] {strides = array<i32>} : memref<2048xi32, #tpu.memory_space<vmem>>, vector<16xi32>,
    %swap3A_580 = vector.shape_cast %swap3A_579 : vector<16xi32> to vector<16xi32>
    %swap3A_581 = vector.shape_cast %add3A_577 : vector<16xi32> to vector<16xi32>
    tpu.vector_store %arg6[%swap3A_578], %swap3A_581 {strides = array<i32>} : memref<2048xi32, #tpu.memory_space<vmem>>, vector<16xi32>,
    %add3A_582 = arith.constant 131072 : i32
    %add3A_583 = arith.addi %mul3A_6, %add3A_582 : i32
    %get3A_584 = arith.constant 192 : index
    %get3A_585 = tpu.vector_load %arg5[%get3A_584] {strides = array<i32>} : memref<256xi32, #tpu.memory_space<vmem>>, vector<16xi32>,
    %get3A_586 = vector.shape_cast %get3A_585 : vector<16xi32> to vector<16xi32>
    %add3A_587 = arith.constant 32768 : i32
    %add3A_588 = arith.addi %add3A_583, %add3A_587 : i32
    %add3A_589 = vector.broadcast %add3A_588 : i32 to vector<16xi32>
    %add3A_590 = arith.addi %get3A_586, %add3A_589 : vector<16xi32>
    %swap3A_591 = arith.constant 704 : index
    %swap3A_592 = tpu.vector_load %arg6[%swap3A_591] {strides = array<i32>} : memref<2048xi32, #tpu.memory_space<vmem>>, vector<16xi32>,
    %swap3A_593 = vector.shape_cast %swap3A_592 : vector<16xi32> to vector<16xi32>
    %swap3A_594 = vector.shape_cast %add3A_590 : vector<16xi32> to vector<16xi32>
    tpu.vector_store %arg6[%swap3A_591], %swap3A_594 {strides = array<i32>} : memref<2048xi32, #tpu.memory_space<vmem>>, vector<16xi32>,
    %add3A_595 = arith.constant 131072 : i32
    %add3A_596 = arith.addi %mul3A_6, %add3A_595 : i32
    %get3A_597 = arith.constant 208 : index
    %get3A_598 = tpu.vector_load %arg5[%get3A_597] {strides = array<i32>} : memref<256xi32, #tpu.memory_space<vmem>>, vector<16xi32>,
    %get3A_599 = vector.shape_cast %get3A_598 : vector<16xi32> to vector<16xi32>
    %add3A_600 = arith.constant 32768 : i32
    %add3A_601 = arith.addi %add3A_596, %add3A_600 : i32
    %add3A_602 = vector.broadcast %add3A_601 : i32 to vector<16xi32>
    %add3A_603 = arith.addi %get3A_599, %add3A_602 : vector<16xi32>
    %swap3A_604 = arith.constant 720 : index
    %swap3A_605 = tpu.vector_load %arg6[%swap3A_604] {strides = array<i32>} : memref<2048xi32, #tpu.memory_space<vmem>>, vector<16xi32>,
    %swap3A_606 = vector.shape_cast %swap3A_605 : vector<16xi32> to vector<16xi32>
    %swap3A_607 = vector.shape_cast %add3A_603 : vector<16xi32> to vector<16xi32>
    tpu.vector_store %arg6[%swap3A_604], %swap3A_607 {strides = array<i32>} : memref<2048xi32, #tpu.memory_space<vmem>>, vector<16xi32>,
    %add3A_608 = arith.constant 131072 : i32
    %add3A_609 = arith.addi %mul3A_6, %add3A_608 : i32
    %get3A_610 = arith.constant 224 : index
    %get3A_611 = tpu.vector_load %arg5[%get3A_610] {strides = array<i32>} : memref<256xi32, #tpu.memory_space<vmem>>, vector<16xi32>,
    %get3A_612 = vector.shape_cast %get3A_611 : vector<16xi32> to vector<16xi32>
    %add3A_613 = arith.constant 32768 : i32
    %add3A_614 = arith.addi %add3A_609, %add3A_613 : i32
    %add3A_615 = vector.broadcast %add3A_614 : i32 to vector<16xi32>
    %add3A_616 = arith.addi %get3A_612, %add3A_615 : vector<16xi32>
    %swap3A_617 = arith.constant 736 : index
    %swap3A_618 = tpu.vector_load %arg6[%swap3A_617] {strides = array<i32>} : memref<2048xi32, #tpu.memory_space<vmem>>, vector<16xi32>,
    %swap3A_619 = vector.shape_cast %swap3A_618 : vector<16xi32> to vector<16xi32>
    %swap3A_620 = vector.shape_cast %add3A_616 : vector<16xi32> to vector<16xi32>
    tpu.vector_store %arg6[%swap3A_617], %swap3A_620 {strides = array<i32>} : memref<2048xi32, #tpu.memory_space<vmem>>, vector<16xi32>,
    %add3A_621 = arith.constant 131072 : i32
    %add3A_622 = arith.addi %mul3A_6, %add3A_621 : i32
    %get3A_623 = arith.constant 240 : index
    %get3A_624 = tpu.vector_load %arg5[%get3A_623] {strides = array<i32>} : memref<256xi32, #tpu.memory_space<vmem>>, vector<16xi32>,
    %get3A_625 = vector.shape_cast %get3A_624 : vector<16xi32> to vector<16xi32>
    %add3A_626 = arith.constant 32768 : i32
    %add3A_627 = arith.addi %add3A_622, %add3A_626 : i32
    %add3A_628 = vector.broadcast %add3A_627 : i32 to vector<16xi32>
    %add3A_629 = arith.addi %get3A_625, %add3A_628 : vector<16xi32>
    %swap3A_630 = arith.constant 752 : index
    %swap3A_631 = tpu.vector_load %arg6[%swap3A_630] {strides = array<i32>} : memref<2048xi32, #tpu.memory_space<vmem>>, vector<16xi32>,
    %swap3A_632 = vector.shape_cast %swap3A_631 : vector<16xi32> to vector<16xi32>
    %swap3A_633 = vector.shape_cast %add3A_629 : vector<16xi32> to vector<16xi32>
    tpu.vector_store %arg6[%swap3A_630], %swap3A_633 {strides = array<i32>} : memref<2048xi32, #tpu.memory_space<vmem>>, vector<16xi32>,
    %add3A_634 = arith.constant 0 : i32
    %add3A_635 = arith.addi %mul3A_6, %add3A_634 : i32
    %get3A_636 = arith.constant 0 : index
    %get3A_637 = tpu.vector_load %arg5[%get3A_636] {strides = array<i32>} : memref<256xi32, #tpu.memory_space<vmem>>, vector<16xi32>,
    %get3A_638 = vector.shape_cast %get3A_637 : vector<16xi32> to vector<16xi32>
    %add3A_639 = arith.constant 49152 : i32
    %add3A_640 = arith.addi %add3A_635, %add3A_639 : i32
    %add3A_641 = vector.broadcast %add3A_640 : i32 to vector<16xi32>
    %add3A_642 = arith.addi %get3A_638, %add3A_641 : vector<16xi32>
    %swap3A_643 = arith.constant 768 : index
    %swap3A_644 = tpu.vector_load %arg6[%swap3A_643] {strides = array<i32>} : memref<2048xi32, #tpu.memory_space<vmem>>, vector<16xi32>,
    %swap3A_645 = vector.shape_cast %swap3A_644 : vector<16xi32> to vector<16xi32>
    %swap3A_646 = vector.shape_cast %add3A_642 : vector<16xi32> to vector<16xi32>
    tpu.vector_store %arg6[%swap3A_643], %swap3A_646 {strides = array<i32>} : memref<2048xi32, #tpu.memory_space<vmem>>, vector<16xi32>,
    %add3A_647 = arith.constant 0 : i32
    %add3A_648 = arith.addi %mul3A_6, %add3A_647 : i32
    %get3A_649 = arith.constant 16 : index
    %get3A_650 = tpu.vector_load %arg5[%get3A_649] {strides = array<i32>} : memref<256xi32, #tpu.memory_space<vmem>>, vector<16xi32>,
    %get3A_651 = vector.shape_cast %get3A_650 : vector<16xi32> to vector<16xi32>
    %add3A_652 = arith.constant 49152 : i32
    %add3A_653 = arith.addi %add3A_648, %add3A_652 : i32
    %add3A_654 = vector.broadcast %add3A_653 : i32 to vector<16xi32>
    %add3A_655 = arith.addi %get3A_651, %add3A_654 : vector<16xi32>
    %swap3A_656 = arith.constant 784 : index
    %swap3A_657 = tpu.vector_load %arg6[%swap3A_656] {strides = array<i32>} : memref<2048xi32, #tpu.memory_space<vmem>>, vector<16xi32>,
    %swap3A_658 = vector.shape_cast %swap3A_657 : vector<16xi32> to vector<16xi32>
    %swap3A_659 = vector.shape_cast %add3A_655 : vector<16xi32> to vector<16xi32>
    tpu.vector_store %arg6[%swap3A_656], %swap3A_659 {strides = array<i32>} : memref<2048xi32, #tpu.memory_space<vmem>>, vector<16xi32>,
    %add3A_660 = arith.constant 0 : i32
    %add3A_661 = arith.addi %mul3A_6, %add3A_660 : i32
    %get3A_662 = arith.constant 32 : index
    %get3A_663 = tpu.vector_load %arg5[%get3A_662] {strides = array<i32>} : memref<256xi32, #tpu.memory_space<vmem>>, vector<16xi32>,
    %get3A_664 = vector.shape_cast %get3A_663 : vector<16xi32> to vector<16xi32>
    %add3A_665 = arith.constant 49152 : i32
    %add3A_666 = arith.addi %add3A_661, %add3A_665 : i32
    %add3A_667 = vector.broadcast %add3A_666 : i32 to vector<16xi32>
    %add3A_668 = arith.addi %get3A_664, %add3A_667 : vector<16xi32>
    %swap3A_669 = arith.constant 800 : index
    %swap3A_670 = tpu.vector_load %arg6[%swap3A_669] {strides = array<i32>} : memref<2048xi32, #tpu.memory_space<vmem>>, vector<16xi32>,
    %swap3A_671 = vector.shape_cast %swap3A_670 : vector<16xi32> to vector<16xi32>
    %swap3A_672 = vector.shape_cast %add3A_668 : vector<16xi32> to vector<16xi32>
    tpu.vector_store %arg6[%swap3A_669], %swap3A_672 {strides = array<i32>} : memref<2048xi32, #tpu.memory_space<vmem>>, vector<16xi32>,
    %add3A_673 = arith.constant 0 : i32
    %add3A_674 = arith.addi %mul3A_6, %add3A_673 : i32
    %get3A_675 = arith.constant 48 : index
    %get3A_676 = tpu.vector_load %arg5[%get3A_675] {strides = array<i32>} : memref<256xi32, #tpu.memory_space<vmem>>, vector<16xi32>,
    %get3A_677 = vector.shape_cast %get3A_676 : vector<16xi32> to vector<16xi32>
    %add3A_678 = arith.constant 49152 : i32
    %add3A_679 = arith.addi %add3A_674, %add3A_678 : i32
    %add3A_680 = vector.broadcast %add3A_679 : i32 to vector<16xi32>
    %add3A_681 = arith.addi %get3A_677, %add3A_680 : vector<16xi32>
    %swap3A_682 = arith.constant 816 : index
    %swap3A_683 = tpu.vector_load %arg6[%swap3A_682] {strides = array<i32>} : memref<2048xi32, #tpu.memory_space<vmem>>, vector<16xi32>,
    %swap3A_684 = vector.shape_cast %swap3A_683 : vector<16xi32> to vector<16xi32>
    %swap3A_685 = vector.shape_cast %add3A_681 : vector<16xi32> to vector<16xi32>
    tpu.vector_store %arg6[%swap3A_682], %swap3A_685 {strides = array<i32>} : memref<2048xi32, #tpu.memory_space<vmem>>, vector<16xi32>,
    %add3A_686 = arith.constant 0 : i32
    %add3A_687 = arith.addi %mul3A_6, %add3A_686 : i32
    %get3A_688 = arith.constant 64 : index
    %get3A_689 = tpu.vector_load %arg5[%get3A_688] {strides = array<i32>} : memref<256xi32, #tpu.memory_space<vmem>>, vector<16xi32>,
    %get3A_690 = vector.shape_cast %get3A_689 : vector<16xi32> to vector<16xi32>
    %add3A_691 = arith.constant 49152 : i32
    %add3A_692 = arith.addi %add3A_687, %add3A_691 : i32
    %add3A_693 = vector.broadcast %add3A_692 : i32 to vector<16xi32>
    %add3A_694 = arith.addi %get3A_690, %add3A_693 : vector<16xi32>
    %swap3A_695 = arith.constant 832 : index
    %swap3A_696 = tpu.vector_load %arg6[%swap3A_695] {strides = array<i32>} : memref<2048xi32, #tpu.memory_space<vmem>>, vector<16xi32>,
    %swap3A_697 = vector.shape_cast %swap3A_696 : vector<16xi32> to vector<16xi32>
    %swap3A_698 = vector.shape_cast %add3A_694 : vector<16xi32> to vector<16xi32>
    tpu.vector_store %arg6[%swap3A_695], %swap3A_698 {strides = array<i32>} : memref<2048xi32, #tpu.memory_space<vmem>>, vector<16xi32>,
    %add3A_699 = arith.constant 0 : i32
    %add3A_700 = arith.addi %mul3A_6, %add3A_699 : i32
    %get3A_701 = arith.constant 80 : index
    %get3A_702 = tpu.vector_load %arg5[%get3A_701] {strides = array<i32>} : memref<256xi32, #tpu.memory_space<vmem>>, vector<16xi32>,
    %get3A_703 = vector.shape_cast %get3A_702 : vector<16xi32> to vector<16xi32>
    %add3A_704 = arith.constant 49152 : i32
    %add3A_705 = arith.addi %add3A_700, %add3A_704 : i32
    %add3A_706 = vector.broadcast %add3A_705 : i32 to vector<16xi32>
    %add3A_707 = arith.addi %get3A_703, %add3A_706 : vector<16xi32>
    %swap3A_708 = arith.constant 848 : index
    %swap3A_709 = tpu.vector_load %arg6[%swap3A_708] {strides = array<i32>} : memref<2048xi32, #tpu.memory_space<vmem>>, vector<16xi32>,
    %swap3A_710 = vector.shape_cast %swap3A_709 : vector<16xi32> to vector<16xi32>
    %swap3A_711 = vector.shape_cast %add3A_707 : vector<16xi32> to vector<16xi32>
    tpu.vector_store %arg6[%swap3A_708], %swap3A_711 {strides = array<i32>} : memref<2048xi32, #tpu.memory_space<vmem>>, vector<16xi32>,
    %add3A_712 = arith.constant 0 : i32
    %add3A_713 = arith.addi %mul3A_6, %add3A_712 : i32
    %get3A_714 = arith.constant 96 : index
    %get3A_715 = tpu.vector_load %arg5[%get3A_714] {strides = array<i32>} : memref<256xi32, #tpu.memory_space<vmem>>, vector<16xi32>,
    %get3A_716 = vector.shape_cast %get3A_715 : vector<16xi32> to vector<16xi32>
    %add3A_717 = arith.constant 49152 : i32
    %add3A_718 = arith.addi %add3A_713, %add3A_717 : i32
    %add3A_719 = vector.broadcast %add3A_718 : i32 to vector<16xi32>
    %add3A_720 = arith.addi %get3A_716, %add3A_719 : vector<16xi32>
    %swap3A_721 = arith.constant 864 : index
    %swap3A_722 = tpu.vector_load %arg6[%swap3A_721] {strides = array<i32>} : memref<2048xi32, #tpu.memory_space<vmem>>, vector<16xi32>,
    %swap3A_723 = vector.shape_cast %swap3A_722 : vector<16xi32> to vector<16xi32>
    %swap3A_724 = vector.shape_cast %add3A_720 : vector<16xi32> to vector<16xi32>
    tpu.vector_store %arg6[%swap3A_721], %swap3A_724 {strides = array<i32>} : memref<2048xi32, #tpu.memory_space<vmem>>, vector<16xi32>,
    %add3A_725 = arith.constant 0 : i32
    %add3A_726 = arith.addi %mul3A_6, %add3A_725 : i32
    %get3A_727 = arith.constant 112 : index
    %get3A_728 = tpu.vector_load %arg5[%get3A_727] {strides = array<i32>} : memref<256xi32, #tpu.memory_space<vmem>>, vector<16xi32>,
    %get3A_729 = vector.shape_cast %get3A_728 : vector<16xi32> to vector<16xi32>
    %add3A_730 = arith.constant 49152 : i32
    %add3A_731 = arith.addi %add3A_726, %add3A_730 : i32
    %add3A_732 = vector.broadcast %add3A_731 : i32 to vector<16xi32>
    %add3A_733 = arith.addi %get3A_729, %add3A_732 : vector<16xi32>
    %swap3A_734 = arith.constant 880 : index
    %swap3A_735 = tpu.vector_load %arg6[%swap3A_734] {strides = array<i32>} : memref<2048xi32, #tpu.memory_space<vmem>>, vector<16xi32>,
    %swap3A_736 = vector.shape_cast %swap3A_735 : vector<16xi32> to vector<16xi32>
    %swap3A_737 = vector.shape_cast %add3A_733 : vector<16xi32> to vector<16xi32>
    tpu.vector_store %arg6[%swap3A_734], %swap3A_737 {strides = array<i32>} : memref<2048xi32, #tpu.memory_space<vmem>>, vector<16xi32>,
    %add3A_738 = arith.constant 131072 : i32
    %add3A_739 = arith.addi %mul3A_6, %add3A_738 : i32
    %get3A_740 = arith.constant 128 : index
    %get3A_741 = tpu.vector_load %arg5[%get3A_740] {strides = array<i32>} : memref<256xi32, #tpu.memory_space<vmem>>, vector<16xi32>,
    %get3A_742 = vector.shape_cast %get3A_741 : vector<16xi32> to vector<16xi32>
    %add3A_743 = arith.constant 49152 : i32
    %add3A_744 = arith.addi %add3A_739, %add3A_743 : i32
    %add3A_745 = vector.broadcast %add3A_744 : i32 to vector<16xi32>
    %add3A_746 = arith.addi %get3A_742, %add3A_745 : vector<16xi32>
    %swap3A_747 = arith.constant 896 : index
    %swap3A_748 = tpu.vector_load %arg6[%swap3A_747] {strides = array<i32>} : memref<2048xi32, #tpu.memory_space<vmem>>, vector<16xi32>,
    %swap3A_749 = vector.shape_cast %swap3A_748 : vector<16xi32> to vector<16xi32>
    %swap3A_750 = vector.shape_cast %add3A_746 : vector<16xi32> to vector<16xi32>
    tpu.vector_store %arg6[%swap3A_747], %swap3A_750 {strides = array<i32>} : memref<2048xi32, #tpu.memory_space<vmem>>, vector<16xi32>,
    %add3A_751 = arith.constant 131072 : i32
    %add3A_752 = arith.addi %mul3A_6, %add3A_751 : i32
    %get3A_753 = arith.constant 144 : index
    %get3A_754 = tpu.vector_load %arg5[%get3A_753] {strides = array<i32>} : memref<256xi32, #tpu.memory_space<vmem>>, vector<16xi32>,
    %get3A_755 = vector.shape_cast %get3A_754 : vector<16xi32> to vector<16xi32>
    %add3A_756 = arith.constant 49152 : i32
    %add3A_757 = arith.addi %add3A_752, %add3A_756 : i32
    %add3A_758 = vector.broadcast %add3A_757 : i32 to vector<16xi32>
    %add3A_759 = arith.addi %get3A_755, %add3A_758 : vector<16xi32>
    %swap3A_760 = arith.constant 912 : index
    %swap3A_761 = tpu.vector_load %arg6[%swap3A_760] {strides = array<i32>} : memref<2048xi32, #tpu.memory_space<vmem>>, vector<16xi32>,
    %swap3A_762 = vector.shape_cast %swap3A_761 : vector<16xi32> to vector<16xi32>
    %swap3A_763 = vector.shape_cast %add3A_759 : vector<16xi32> to vector<16xi32>
    tpu.vector_store %arg6[%swap3A_760], %swap3A_763 {strides = array<i32>} : memref<2048xi32, #tpu.memory_space<vmem>>, vector<16xi32>,
    %add3A_764 = arith.constant 131072 : i32
    %add3A_765 = arith.addi %mul3A_6, %add3A_764 : i32
    %get3A_766 = arith.constant 160 : index
    %get3A_767 = tpu.vector_load %arg5[%get3A_766] {strides = array<i32>} : memref<256xi32, #tpu.memory_space<vmem>>, vector<16xi32>,
    %get3A_768 = vector.shape_cast %get3A_767 : vector<16xi32> to vector<16xi32>
    %add3A_769 = arith.constant 49152 : i32
    %add3A_770 = arith.addi %add3A_765, %add3A_769 : i32
    %add3A_771 = vector.broadcast %add3A_770 : i32 to vector<16xi32>
    %add3A_772 = arith.addi %get3A_768, %add3A_771 : vector<16xi32>
    %swap3A_773 = arith.constant 928 : index
    %swap3A_774 = tpu.vector_load %arg6[%swap3A_773] {strides = array<i32>} : memref<2048xi32, #tpu.memory_space<vmem>>, vector<16xi32>,
    %swap3A_775 = vector.shape_cast %swap3A_774 : vector<16xi32> to vector<16xi32>
    %swap3A_776 = vector.shape_cast %add3A_772 : vector<16xi32> to vector<16xi32>
    tpu.vector_store %arg6[%swap3A_773], %swap3A_776 {strides = array<i32>} : memref<2048xi32, #tpu.memory_space<vmem>>, vector<16xi32>,
    %add3A_777 = arith.constant 131072 : i32
    %add3A_778 = arith.addi %mul3A_6, %add3A_777 : i32
    %get3A_779 = arith.constant 176 : index
    %get3A_780 = tpu.vector_load %arg5[%get3A_779] {strides = array<i32>} : memref<256xi32, #tpu.memory_space<vmem>>, vector<16xi32>,
    %get3A_781 = vector.shape_cast %get3A_780 : vector<16xi32> to vector<16xi32>
    %add3A_782 = arith.constant 49152 : i32
    %add3A_783 = arith.addi %add3A_778, %add3A_782 : i32
    %add3A_784 = vector.broadcast %add3A_783 : i32 to vector<16xi32>
    %add3A_785 = arith.addi %get3A_781, %add3A_784 : vector<16xi32>
    %swap3A_786 = arith.constant 944 : index
    %swap3A_787 = tpu.vector_load %arg6[%swap3A_786] {strides = array<i32>} : memref<2048xi32, #tpu.memory_space<vmem>>, vector<16xi32>,
    %swap3A_788 = vector.shape_cast %swap3A_787 : vector<16xi32> to vector<16xi32>
    %swap3A_789 = vector.shape_cast %add3A_785 : vector<16xi32> to vector<16xi32>
    tpu.vector_store %arg6[%swap3A_786], %swap3A_789 {strides = array<i32>} : memref<2048xi32, #tpu.memory_space<vmem>>, vector<16xi32>,
    %add3A_790 = arith.constant 131072 : i32
    %add3A_791 = arith.addi %mul3A_6, %add3A_790 : i32
    %get3A_792 = arith.constant 192 : index
    %get3A_793 = tpu.vector_load %arg5[%get3A_792] {strides = array<i32>} : memref<256xi32, #tpu.memory_space<vmem>>, vector<16xi32>,
    %get3A_794 = vector.shape_cast %get3A_793 : vector<16xi32> to vector<16xi32>
    %add3A_795 = arith.constant 49152 : i32
    %add3A_796 = arith.addi %add3A_791, %add3A_795 : i32
    %add3A_797 = vector.broadcast %add3A_796 : i32 to vector<16xi32>
    %add3A_798 = arith.addi %get3A_794, %add3A_797 : vector<16xi32>
    %swap3A_799 = arith.constant 960 : index
    %swap3A_800 = tpu.vector_load %arg6[%swap3A_799] {strides = array<i32>} : memref<2048xi32, #tpu.memory_space<vmem>>, vector<16xi32>,
    %swap3A_801 = vector.shape_cast %swap3A_800 : vector<16xi32> to vector<16xi32>
    %swap3A_802 = vector.shape_cast %add3A_798 : vector<16xi32> to vector<16xi32>
    tpu.vector_store %arg6[%swap3A_799], %swap3A_802 {strides = array<i32>} : memref<2048xi32, #tpu.memory_space<vmem>>, vector<16xi32>,
    %add3A_803 = arith.constant 131072 : i32
    %add3A_804 = arith.addi %mul3A_6, %add3A_803 : i32
    %get3A_805 = arith.constant 208 : index
    %get3A_806 = tpu.vector_load %arg5[%get3A_805] {strides = array<i32>} : memref<256xi32, #tpu.memory_space<vmem>>, vector<16xi32>,
    %get3A_807 = vector.shape_cast %get3A_806 : vector<16xi32> to vector<16xi32>
    %add3A_808 = arith.constant 49152 : i32
    %add3A_809 = arith.addi %add3A_804, %add3A_808 : i32
    %add3A_810 = vector.broadcast %add3A_809 : i32 to vector<16xi32>
    %add3A_811 = arith.addi %get3A_807, %add3A_810 : vector<16xi32>
    %swap3A_812 = arith.constant 976 : index
    %swap3A_813 = tpu.vector_load %arg6[%swap3A_812] {strides = array<i32>} : memref<2048xi32, #tpu.memory_space<vmem>>, vector<16xi32>,
    %swap3A_814 = vector.shape_cast %swap3A_813 : vector<16xi32> to vector<16xi32>
    %swap3A_815 = vector.shape_cast %add3A_811 : vector<16xi32> to vector<16xi32>
    tpu.vector_store %arg6[%swap3A_812], %swap3A_815 {strides = array<i32>} : memref<2048xi32, #tpu.memory_space<vmem>>, vector<16xi32>,
    %add3A_816 = arith.constant 131072 : i32
    %add3A_817 = arith.addi %mul3A_6, %add3A_816 : i32
    %get3A_818 = arith.constant 224 : index
    %get3A_819 = tpu.vector_load %arg5[%get3A_818] {strides = array<i32>} : memref<256xi32, #tpu.memory_space<vmem>>, vector<16xi32>,
    %get3A_820 = vector.shape_cast %get3A_819 : vector<16xi32> to vector<16xi32>
    %add3A_821 = arith.constant 49152 : i32
    %add3A_822 = arith.addi %add3A_817, %add3A_821 : i32
    %add3A_823 = vector.broadcast %add3A_822 : i32 to vector<16xi32>
    %add3A_824 = arith.addi %get3A_820, %add3A_823 : vector<16xi32>
    %swap3A_825 = arith.constant 992 : index
    %swap3A_826 = tpu.vector_load %arg6[%swap3A_825] {strides = array<i32>} : memref<2048xi32, #tpu.memory_space<vmem>>, vector<16xi32>,
    %swap3A_827 = vector.shape_cast %swap3A_826 : vector<16xi32> to vector<16xi32>
    %swap3A_828 = vector.shape_cast %add3A_824 : vector<16xi32> to vector<16xi32>
    tpu.vector_store %arg6[%swap3A_825], %swap3A_828 {strides = array<i32>} : memref<2048xi32, #tpu.memory_space<vmem>>, vector<16xi32>,
    %add3A_829 = arith.constant 131072 : i32
    %add3A_830 = arith.addi %mul3A_6, %add3A_829 : i32
    %get3A_831 = arith.constant 240 : index
    %get3A_832 = tpu.vector_load %arg5[%get3A_831] {strides = array<i32>} : memref<256xi32, #tpu.memory_space<vmem>>, vector<16xi32>,
    %get3A_833 = vector.shape_cast %get3A_832 : vector<16xi32> to vector<16xi32>
    %add3A_834 = arith.constant 49152 : i32
    %add3A_835 = arith.addi %add3A_830, %add3A_834 : i32
    %add3A_836 = vector.broadcast %add3A_835 : i32 to vector<16xi32>
    %add3A_837 = arith.addi %get3A_833, %add3A_836 : vector<16xi32>
    %swap3A_838 = arith.constant 1008 : index
    %swap3A_839 = tpu.vector_load %arg6[%swap3A_838] {strides = array<i32>} : memref<2048xi32, #tpu.memory_space<vmem>>, vector<16xi32>,
    %swap3A_840 = vector.shape_cast %swap3A_839 : vector<16xi32> to vector<16xi32>
    %swap3A_841 = vector.shape_cast %add3A_837 : vector<16xi32> to vector<16xi32>
    tpu.vector_store %arg6[%swap3A_838], %swap3A_841 {strides = array<i32>} : memref<2048xi32, #tpu.memory_space<vmem>>, vector<16xi32>,
    %dma_start3A_842 = arith.constant 512 : i32
    %dma_start3A_843 = tpu.memref_slice %arg7[%dma_start3A_842] : memref<2048xf32, #tpu.memory_space<vmem>> -> memref<512xf32, #tpu.memory_space<vmem>>
    %dma_start3A_844 = arith.constant 512 : i32
    %dma_start3A_845 = tpu.memref_slice %arg6[%dma_start3A_844] : memref<2048xi32, #tpu.memory_space<vmem>> -> memref<512xi32, #tpu.memory_space<vmem>>
    %dma_start3A_846 = arith.constant 0 : i32
    %dma_start3A_847 = tpu.memref_slice %arg2[%dma_start3A_846] : memref<8388608xf32, #tpu.memory_space<hbm>> -> memref<8388608xf32, #tpu.memory_space<hbm>>
    tpu.enqueue_indirect_dma source(%dma_start3A_847 : memref<8388608xf32, #tpu.memory_space<hbm>>) target(%dma_start3A_843 : memref<512xf32, #tpu.memory_space<vmem>>) offsets(%dma_start3A_845 : memref<512xi32, #tpu.memory_space<vmem>>) semaphore(%arg8 : memref<!tpu.dma_semaphore, #tpu.memory_space<semaphore_mem>>)
    %add3A_848 = arith.constant 0 : i32
    %add3A_849 = arith.addi %mul3A_6, %add3A_848 : i32
    %get3A_850 = arith.constant 0 : index
    %get3A_851 = tpu.vector_load %arg5[%get3A_850] {strides = array<i32>} : memref<256xi32, #tpu.memory_space<vmem>>, vector<16xi32>,
    %get3A_852 = vector.shape_cast %get3A_851 : vector<16xi32> to vector<16xi32>
    %add3A_853 = arith.constant 65536 : i32
    %add3A_854 = arith.addi %add3A_849, %add3A_853 : i32
    %add3A_855 = vector.broadcast %add3A_854 : i32 to vector<16xi32>
    %add3A_856 = arith.addi %get3A_852, %add3A_855 : vector<16xi32>
    %swap3A_857 = arith.constant 1024 : index
    %swap3A_858 = tpu.vector_load %arg6[%swap3A_857] {strides = array<i32>} : memref<2048xi32, #tpu.memory_space<vmem>>, vector<16xi32>,
    %swap3A_859 = vector.shape_cast %swap3A_858 : vector<16xi32> to vector<16xi32>
    %swap3A_860 = vector.shape_cast %add3A_856 : vector<16xi32> to vector<16xi32>
    tpu.vector_store %arg6[%swap3A_857], %swap3A_860 {strides = array<i32>} : memref<2048xi32, #tpu.memory_space<vmem>>, vector<16xi32>,
    %add3A_861 = arith.constant 0 : i32
    %add3A_862 = arith.addi %mul3A_6, %add3A_861 : i32
    %get3A_863 = arith.constant 16 : index
    %get3A_864 = tpu.vector_load %arg5[%get3A_863] {strides = array<i32>} : memref<256xi32, #tpu.memory_space<vmem>>, vector<16xi32>,
    %get3A_865 = vector.shape_cast %get3A_864 : vector<16xi32> to vector<16xi32>
    %add3A_866 = arith.constant 65536 : i32
    %add3A_867 = arith.addi %add3A_862, %add3A_866 : i32
    %add3A_868 = vector.broadcast %add3A_867 : i32 to vector<16xi32>
    %add3A_869 = arith.addi %get3A_865, %add3A_868 : vector<16xi32>
    %swap3A_870 = arith.constant 1040 : index
    %swap3A_871 = tpu.vector_load %arg6[%swap3A_870] {strides = array<i32>} : memref<2048xi32, #tpu.memory_space<vmem>>, vector<16xi32>,
    %swap3A_872 = vector.shape_cast %swap3A_871 : vector<16xi32> to vector<16xi32>
    %swap3A_873 = vector.shape_cast %add3A_869 : vector<16xi32> to vector<16xi32>
    tpu.vector_store %arg6[%swap3A_870], %swap3A_873 {strides = array<i32>} : memref<2048xi32, #tpu.memory_space<vmem>>, vector<16xi32>,
    %add3A_874 = arith.constant 0 : i32
    %add3A_875 = arith.addi %mul3A_6, %add3A_874 : i32
    %get3A_876 = arith.constant 32 : index
    %get3A_877 = tpu.vector_load %arg5[%get3A_876] {strides = array<i32>} : memref<256xi32, #tpu.memory_space<vmem>>, vector<16xi32>,
    %get3A_878 = vector.shape_cast %get3A_877 : vector<16xi32> to vector<16xi32>
    %add3A_879 = arith.constant 65536 : i32
    %add3A_880 = arith.addi %add3A_875, %add3A_879 : i32
    %add3A_881 = vector.broadcast %add3A_880 : i32 to vector<16xi32>
    %add3A_882 = arith.addi %get3A_878, %add3A_881 : vector<16xi32>
    %swap3A_883 = arith.constant 1056 : index
    %swap3A_884 = tpu.vector_load %arg6[%swap3A_883] {strides = array<i32>} : memref<2048xi32, #tpu.memory_space<vmem>>, vector<16xi32>,
    %swap3A_885 = vector.shape_cast %swap3A_884 : vector<16xi32> to vector<16xi32>
    %swap3A_886 = vector.shape_cast %add3A_882 : vector<16xi32> to vector<16xi32>
    tpu.vector_store %arg6[%swap3A_883], %swap3A_886 {strides = array<i32>} : memref<2048xi32, #tpu.memory_space<vmem>>, vector<16xi32>,
    %add3A_887 = arith.constant 0 : i32
    %add3A_888 = arith.addi %mul3A_6, %add3A_887 : i32
    %get3A_889 = arith.constant 48 : index
    %get3A_890 = tpu.vector_load %arg5[%get3A_889] {strides = array<i32>} : memref<256xi32, #tpu.memory_space<vmem>>, vector<16xi32>,
    %get3A_891 = vector.shape_cast %get3A_890 : vector<16xi32> to vector<16xi32>
    %add3A_892 = arith.constant 65536 : i32
    %add3A_893 = arith.addi %add3A_888, %add3A_892 : i32
    %add3A_894 = vector.broadcast %add3A_893 : i32 to vector<16xi32>
    %add3A_895 = arith.addi %get3A_891, %add3A_894 : vector<16xi32>
    %swap3A_896 = arith.constant 1072 : index
    %swap3A_897 = tpu.vector_load %arg6[%swap3A_896] {strides = array<i32>} : memref<2048xi32, #tpu.memory_space<vmem>>, vector<16xi32>,
    %swap3A_898 = vector.shape_cast %swap3A_897 : vector<16xi32> to vector<16xi32>
    %swap3A_899 = vector.shape_cast %add3A_895 : vector<16xi32> to vector<16xi32>
    tpu.vector_store %arg6[%swap3A_896], %swap3A_899 {strides = array<i32>} : memref<2048xi32, #tpu.memory_space<vmem>>, vector<16xi32>,
    %add3A_900 = arith.constant 0 : i32
    %add3A_901 = arith.addi %mul3A_6, %add3A_900 : i32
    %get3A_902 = arith.constant 64 : index
    %get3A_903 = tpu.vector_load %arg5[%get3A_902] {strides = array<i32>} : memref<256xi32, #tpu.memory_space<vmem>>, vector<16xi32>,
    %get3A_904 = vector.shape_cast %get3A_903 : vector<16xi32> to vector<16xi32>
    %add3A_905 = arith.constant 65536 : i32
    %add3A_906 = arith.addi %add3A_901, %add3A_905 : i32
    %add3A_907 = vector.broadcast %add3A_906 : i32 to vector<16xi32>
    %add3A_908 = arith.addi %get3A_904, %add3A_907 : vector<16xi32>
    %swap3A_909 = arith.constant 1088 : index
    %swap3A_910 = tpu.vector_load %arg6[%swap3A_909] {strides = array<i32>} : memref<2048xi32, #tpu.memory_space<vmem>>, vector<16xi32>,
    %swap3A_911 = vector.shape_cast %swap3A_910 : vector<16xi32> to vector<16xi32>
    %swap3A_912 = vector.shape_cast %add3A_908 : vector<16xi32> to vector<16xi32>
    tpu.vector_store %arg6[%swap3A_909], %swap3A_912 {strides = array<i32>} : memref<2048xi32, #tpu.memory_space<vmem>>, vector<16xi32>,
    %add3A_913 = arith.constant 0 : i32
    %add3A_914 = arith.addi %mul3A_6, %add3A_913 : i32
    %get3A_915 = arith.constant 80 : index
    %get3A_916 = tpu.vector_load %arg5[%get3A_915] {strides = array<i32>} : memref<256xi32, #tpu.memory_space<vmem>>, vector<16xi32>,
    %get3A_917 = vector.shape_cast %get3A_916 : vector<16xi32> to vector<16xi32>
    %add3A_918 = arith.constant 65536 : i32
    %add3A_919 = arith.addi %add3A_914, %add3A_918 : i32
    %add3A_920 = vector.broadcast %add3A_919 : i32 to vector<16xi32>
    %add3A_921 = arith.addi %get3A_917, %add3A_920 : vector<16xi32>
    %swap3A_922 = arith.constant 1104 : index
    %swap3A_923 = tpu.vector_load %arg6[%swap3A_922] {strides = array<i32>} : memref<2048xi32, #tpu.memory_space<vmem>>, vector<16xi32>,
    %swap3A_924 = vector.shape_cast %swap3A_923 : vector<16xi32> to vector<16xi32>
    %swap3A_925 = vector.shape_cast %add3A_921 : vector<16xi32> to vector<16xi32>
    tpu.vector_store %arg6[%swap3A_922], %swap3A_925 {strides = array<i32>} : memref<2048xi32, #tpu.memory_space<vmem>>, vector<16xi32>,
    %add3A_926 = arith.constant 0 : i32
    %add3A_927 = arith.addi %mul3A_6, %add3A_926 : i32
    %get3A_928 = arith.constant 96 : index
    %get3A_929 = tpu.vector_load %arg5[%get3A_928] {strides = array<i32>} : memref<256xi32, #tpu.memory_space<vmem>>, vector<16xi32>,
    %get3A_930 = vector.shape_cast %get3A_929 : vector<16xi32> to vector<16xi32>
    %add3A_931 = arith.constant 65536 : i32
    %add3A_932 = arith.addi %add3A_927, %add3A_931 : i32
    %add3A_933 = vector.broadcast %add3A_932 : i32 to vector<16xi32>
    %add3A_934 = arith.addi %get3A_930, %add3A_933 : vector<16xi32>
    %swap3A_935 = arith.constant 1120 : index
    %swap3A_936 = tpu.vector_load %arg6[%swap3A_935] {strides = array<i32>} : memref<2048xi32, #tpu.memory_space<vmem>>, vector<16xi32>,
    %swap3A_937 = vector.shape_cast %swap3A_936 : vector<16xi32> to vector<16xi32>
    %swap3A_938 = vector.shape_cast %add3A_934 : vector<16xi32> to vector<16xi32>
    tpu.vector_store %arg6[%swap3A_935], %swap3A_938 {strides = array<i32>} : memref<2048xi32, #tpu.memory_space<vmem>>, vector<16xi32>,
    %add3A_939 = arith.constant 0 : i32
    %add3A_940 = arith.addi %mul3A_6, %add3A_939 : i32
    %get3A_941 = arith.constant 112 : index
    %get3A_942 = tpu.vector_load %arg5[%get3A_941] {strides = array<i32>} : memref<256xi32, #tpu.memory_space<vmem>>, vector<16xi32>,
    %get3A_943 = vector.shape_cast %get3A_942 : vector<16xi32> to vector<16xi32>
    %add3A_944 = arith.constant 65536 : i32
    %add3A_945 = arith.addi %add3A_940, %add3A_944 : i32
    %add3A_946 = vector.broadcast %add3A_945 : i32 to vector<16xi32>
    %add3A_947 = arith.addi %get3A_943, %add3A_946 : vector<16xi32>
    %swap3A_948 = arith.constant 1136 : index
    %swap3A_949 = tpu.vector_load %arg6[%swap3A_948] {strides = array<i32>} : memref<2048xi32, #tpu.memory_space<vmem>>, vector<16xi32>,
    %swap3A_950 = vector.shape_cast %swap3A_949 : vector<16xi32> to vector<16xi32>
    %swap3A_951 = vector.shape_cast %add3A_947 : vector<16xi32> to vector<16xi32>
    tpu.vector_store %arg6[%swap3A_948], %swap3A_951 {strides = array<i32>} : memref<2048xi32, #tpu.memory_space<vmem>>, vector<16xi32>,
    %add3A_952 = arith.constant 131072 : i32
    %add3A_953 = arith.addi %mul3A_6, %add3A_952 : i32
    %get3A_954 = arith.constant 128 : index
    %get3A_955 = tpu.vector_load %arg5[%get3A_954] {strides = array<i32>} : memref<256xi32, #tpu.memory_space<vmem>>, vector<16xi32>,
    %get3A_956 = vector.shape_cast %get3A_955 : vector<16xi32> to vector<16xi32>
    %add3A_957 = arith.constant 65536 : i32
    %add3A_958 = arith.addi %add3A_953, %add3A_957 : i32
    %add3A_959 = vector.broadcast %add3A_958 : i32 to vector<16xi32>
    %add3A_960 = arith.addi %get3A_956, %add3A_959 : vector<16xi32>
    %swap3A_961 = arith.constant 1152 : index
    %swap3A_962 = tpu.vector_load %arg6[%swap3A_961] {strides = array<i32>} : memref<2048xi32, #tpu.memory_space<vmem>>, vector<16xi32>,
    %swap3A_963 = vector.shape_cast %swap3A_962 : vector<16xi32> to vector<16xi32>
    %swap3A_964 = vector.shape_cast %add3A_960 : vector<16xi32> to vector<16xi32>
    tpu.vector_store %arg6[%swap3A_961], %swap3A_964 {strides = array<i32>} : memref<2048xi32, #tpu.memory_space<vmem>>, vector<16xi32>,
    %add3A_965 = arith.constant 131072 : i32
    %add3A_966 = arith.addi %mul3A_6, %add3A_965 : i32
    %get3A_967 = arith.constant 144 : index
    %get3A_968 = tpu.vector_load %arg5[%get3A_967] {strides = array<i32>} : memref<256xi32, #tpu.memory_space<vmem>>, vector<16xi32>,
    %get3A_969 = vector.shape_cast %get3A_968 : vector<16xi32> to vector<16xi32>
    %add3A_970 = arith.constant 65536 : i32
    %add3A_971 = arith.addi %add3A_966, %add3A_970 : i32
    %add3A_972 = vector.broadcast %add3A_971 : i32 to vector<16xi32>
    %add3A_973 = arith.addi %get3A_969, %add3A_972 : vector<16xi32>
    %swap3A_974 = arith.constant 1168 : index
    %swap3A_975 = tpu.vector_load %arg6[%swap3A_974] {strides = array<i32>} : memref<2048xi32, #tpu.memory_space<vmem>>, vector<16xi32>,
    %swap3A_976 = vector.shape_cast %swap3A_975 : vector<16xi32> to vector<16xi32>
    %swap3A_977 = vector.shape_cast %add3A_973 : vector<16xi32> to vector<16xi32>
    tpu.vector_store %arg6[%swap3A_974], %swap3A_977 {strides = array<i32>} : memref<2048xi32, #tpu.memory_space<vmem>>, vector<16xi32>,
    %add3A_978 = arith.constant 131072 : i32
    %add3A_979 = arith.addi %mul3A_6, %add3A_978 : i32
    %get3A_980 = arith.constant 160 : index
    %get3A_981 = tpu.vector_load %arg5[%get3A_980] {strides = array<i32>} : memref<256xi32, #tpu.memory_space<vmem>>, vector<16xi32>,
    %get3A_982 = vector.shape_cast %get3A_981 : vector<16xi32> to vector<16xi32>
    %add3A_983 = arith.constant 65536 : i32
    %add3A_984 = arith.addi %add3A_979, %add3A_983 : i32
    %add3A_985 = vector.broadcast %add3A_984 : i32 to vector<16xi32>
    %add3A_986 = arith.addi %get3A_982, %add3A_985 : vector<16xi32>
    %swap3A_987 = arith.constant 1184 : index
    %swap3A_988 = tpu.vector_load %arg6[%swap3A_987] {strides = array<i32>} : memref<2048xi32, #tpu.memory_space<vmem>>, vector<16xi32>,
    %swap3A_989 = vector.shape_cast %swap3A_988 : vector<16xi32> to vector<16xi32>
    %swap3A_990 = vector.shape_cast %add3A_986 : vector<16xi32> to vector<16xi32>
    tpu.vector_store %arg6[%swap3A_987], %swap3A_990 {strides = array<i32>} : memref<2048xi32, #tpu.memory_space<vmem>>, vector<16xi32>,
    %add3A_991 = arith.constant 131072 : i32
    %add3A_992 = arith.addi %mul3A_6, %add3A_991 : i32
    %get3A_993 = arith.constant 176 : index
    %get3A_994 = tpu.vector_load %arg5[%get3A_993] {strides = array<i32>} : memref<256xi32, #tpu.memory_space<vmem>>, vector<16xi32>,
    %get3A_995 = vector.shape_cast %get3A_994 : vector<16xi32> to vector<16xi32>
    %add3A_996 = arith.constant 65536 : i32
    %add3A_997 = arith.addi %add3A_992, %add3A_996 : i32
    %add3A_998 = vector.broadcast %add3A_997 : i32 to vector<16xi32>
    %add3A_999 = arith.addi %get3A_995, %add3A_998 : vector<16xi32>
    %swap3A_1000 = arith.constant 1200 : index
    %swap3A_1001 = tpu.vector_load %arg6[%swap3A_1000] {strides = array<i32>} : memref<2048xi32, #tpu.memory_space<vmem>>, vector<16xi32>,
    %swap3A_1002 = vector.shape_cast %swap3A_1001 : vector<16xi32> to vector<16xi32>
    %swap3A_1003 = vector.shape_cast %add3A_999 : vector<16xi32> to vector<16xi32>
    tpu.vector_store %arg6[%swap3A_1000], %swap3A_1003 {strides = array<i32>} : memref<2048xi32, #tpu.memory_space<vmem>>, vector<16xi32>,
    %add3A_1004 = arith.constant 131072 : i32
    %add3A_1005 = arith.addi %mul3A_6, %add3A_1004 : i32
    %get3A_1006 = arith.constant 192 : index
    %get3A_1007 = tpu.vector_load %arg5[%get3A_1006] {strides = array<i32>} : memref<256xi32, #tpu.memory_space<vmem>>, vector<16xi32>,
    %get3A_1008 = vector.shape_cast %get3A_1007 : vector<16xi32> to vector<16xi32>
    %add3A_1009 = arith.constant 65536 : i32
    %add3A_1010 = arith.addi %add3A_1005, %add3A_1009 : i32
    %add3A_1011 = vector.broadcast %add3A_1010 : i32 to vector<16xi32>
    %add3A_1012 = arith.addi %get3A_1008, %add3A_1011 : vector<16xi32>
    %swap3A_1013 = arith.constant 1216 : index
    %swap3A_1014 = tpu.vector_load %arg6[%swap3A_1013] {strides = array<i32>} : memref<2048xi32, #tpu.memory_space<vmem>>, vector<16xi32>,
    %swap3A_1015 = vector.shape_cast %swap3A_1014 : vector<16xi32> to vector<16xi32>
    %swap3A_1016 = vector.shape_cast %add3A_1012 : vector<16xi32> to vector<16xi32>
    tpu.vector_store %arg6[%swap3A_1013], %swap3A_1016 {strides = array<i32>} : memref<2048xi32, #tpu.memory_space<vmem>>, vector<16xi32>,
    %add3A_1017 = arith.constant 131072 : i32
    %add3A_1018 = arith.addi %mul3A_6, %add3A_1017 : i32
    %get3A_1019 = arith.constant 208 : index
    %get3A_1020 = tpu.vector_load %arg5[%get3A_1019] {strides = array<i32>} : memref<256xi32, #tpu.memory_space<vmem>>, vector<16xi32>,
    %get3A_1021 = vector.shape_cast %get3A_1020 : vector<16xi32> to vector<16xi32>
    %add3A_1022 = arith.constant 65536 : i32
    %add3A_1023 = arith.addi %add3A_1018, %add3A_1022 : i32
    %add3A_1024 = vector.broadcast %add3A_1023 : i32 to vector<16xi32>
    %add3A_1025 = arith.addi %get3A_1021, %add3A_1024 : vector<16xi32>
    %swap3A_1026 = arith.constant 1232 : index
    %swap3A_1027 = tpu.vector_load %arg6[%swap3A_1026] {strides = array<i32>} : memref<2048xi32, #tpu.memory_space<vmem>>, vector<16xi32>,
    %swap3A_1028 = vector.shape_cast %swap3A_1027 : vector<16xi32> to vector<16xi32>
    %swap3A_1029 = vector.shape_cast %add3A_1025 : vector<16xi32> to vector<16xi32>
    tpu.vector_store %arg6[%swap3A_1026], %swap3A_1029 {strides = array<i32>} : memref<2048xi32, #tpu.memory_space<vmem>>, vector<16xi32>,
    %add3A_1030 = arith.constant 131072 : i32
    %add3A_1031 = arith.addi %mul3A_6, %add3A_1030 : i32
    %get3A_1032 = arith.constant 224 : index
    %get3A_1033 = tpu.vector_load %arg5[%get3A_1032] {strides = array<i32>} : memref<256xi32, #tpu.memory_space<vmem>>, vector<16xi32>,
    %get3A_1034 = vector.shape_cast %get3A_1033 : vector<16xi32> to vector<16xi32>
    %add3A_1035 = arith.constant 65536 : i32
    %add3A_1036 = arith.addi %add3A_1031, %add3A_1035 : i32
    %add3A_1037 = vector.broadcast %add3A_1036 : i32 to vector<16xi32>
    %add3A_1038 = arith.addi %get3A_1034, %add3A_1037 : vector<16xi32>
    %swap3A_1039 = arith.constant 1248 : index
    %swap3A_1040 = tpu.vector_load %arg6[%swap3A_1039] {strides = array<i32>} : memref<2048xi32, #tpu.memory_space<vmem>>, vector<16xi32>,
    %swap3A_1041 = vector.shape_cast %swap3A_1040 : vector<16xi32> to vector<16xi32>
    %swap3A_1042 = vector.shape_cast %add3A_1038 : vector<16xi32> to vector<16xi32>
    tpu.vector_store %arg6[%swap3A_1039], %swap3A_1042 {strides = array<i32>} : memref<2048xi32, #tpu.memory_space<vmem>>, vector<16xi32>,
    %add3A_1043 = arith.constant 131072 : i32
    %add3A_1044 = arith.addi %mul3A_6, %add3A_1043 : i32
    %get3A_1045 = arith.constant 240 : index
    %get3A_1046 = tpu.vector_load %arg5[%get3A_1045] {strides = array<i32>} : memref<256xi32, #tpu.memory_space<vmem>>, vector<16xi32>,
    %get3A_1047 = vector.shape_cast %get3A_1046 : vector<16xi32> to vector<16xi32>
    %add3A_1048 = arith.constant 65536 : i32
    %add3A_1049 = arith.addi %add3A_1044, %add3A_1048 : i32
    %add3A_1050 = vector.broadcast %add3A_1049 : i32 to vector<16xi32>
    %add3A_1051 = arith.addi %get3A_1047, %add3A_1050 : vector<16xi32>
    %swap3A_1052 = arith.constant 1264 : index
    %swap3A_1053 = tpu.vector_load %arg6[%swap3A_1052] {strides = array<i32>} : memref<2048xi32, #tpu.memory_space<vmem>>, vector<16xi32>,
    %swap3A_1054 = vector.shape_cast %swap3A_1053 : vector<16xi32> to vector<16xi32>
    %swap3A_1055 = vector.shape_cast %add3A_1051 : vector<16xi32> to vector<16xi32>
    tpu.vector_store %arg6[%swap3A_1052], %swap3A_1055 {strides = array<i32>} : memref<2048xi32, #tpu.memory_space<vmem>>, vector<16xi32>,
    %add3A_1056 = arith.constant 0 : i32
    %add3A_1057 = arith.addi %mul3A_6, %add3A_1056 : i32
    %get3A_1058 = arith.constant 0 : index
    %get3A_1059 = tpu.vector_load %arg5[%get3A_1058] {strides = array<i32>} : memref<256xi32, #tpu.memory_space<vmem>>, vector<16xi32>,
    %get3A_1060 = vector.shape_cast %get3A_1059 : vector<16xi32> to vector<16xi32>
    %add3A_1061 = arith.constant 81920 : i32
    %add3A_1062 = arith.addi %add3A_1057, %add3A_1061 : i32
    %add3A_1063 = vector.broadcast %add3A_1062 : i32 to vector<16xi32>
    %add3A_1064 = arith.addi %get3A_1060, %add3A_1063 : vector<16xi32>
    %swap3A_1065 = arith.constant 1280 : index
    %swap3A_1066 = tpu.vector_load %arg6[%swap3A_1065] {strides = array<i32>} : memref<2048xi32, #tpu.memory_space<vmem>>, vector<16xi32>,
    %swap3A_1067 = vector.shape_cast %swap3A_1066 : vector<16xi32> to vector<16xi32>
    %swap3A_1068 = vector.shape_cast %add3A_1064 : vector<16xi32> to vector<16xi32>
    tpu.vector_store %arg6[%swap3A_1065], %swap3A_1068 {strides = array<i32>} : memref<2048xi32, #tpu.memory_space<vmem>>, vector<16xi32>,
    %add3A_1069 = arith.constant 0 : i32
    %add3A_1070 = arith.addi %mul3A_6, %add3A_1069 : i32
    %get3A_1071 = arith.constant 16 : index
    %get3A_1072 = tpu.vector_load %arg5[%get3A_1071] {strides = array<i32>} : memref<256xi32, #tpu.memory_space<vmem>>, vector<16xi32>,
    %get3A_1073 = vector.shape_cast %get3A_1072 : vector<16xi32> to vector<16xi32>
    %add3A_1074 = arith.constant 81920 : i32
    %add3A_1075 = arith.addi %add3A_1070, %add3A_1074 : i32
    %add3A_1076 = vector.broadcast %add3A_1075 : i32 to vector<16xi32>
    %add3A_1077 = arith.addi %get3A_1073, %add3A_1076 : vector<16xi32>
    %swap3A_1078 = arith.constant 1296 : index
    %swap3A_1079 = tpu.vector_load %arg6[%swap3A_1078] {strides = array<i32>} : memref<2048xi32, #tpu.memory_space<vmem>>, vector<16xi32>,
    %swap3A_1080 = vector.shape_cast %swap3A_1079 : vector<16xi32> to vector<16xi32>
    %swap3A_1081 = vector.shape_cast %add3A_1077 : vector<16xi32> to vector<16xi32>
    tpu.vector_store %arg6[%swap3A_1078], %swap3A_1081 {strides = array<i32>} : memref<2048xi32, #tpu.memory_space<vmem>>, vector<16xi32>,
    %add3A_1082 = arith.constant 0 : i32
    %add3A_1083 = arith.addi %mul3A_6, %add3A_1082 : i32
    %get3A_1084 = arith.constant 32 : index
    %get3A_1085 = tpu.vector_load %arg5[%get3A_1084] {strides = array<i32>} : memref<256xi32, #tpu.memory_space<vmem>>, vector<16xi32>,
    %get3A_1086 = vector.shape_cast %get3A_1085 : vector<16xi32> to vector<16xi32>
    %add3A_1087 = arith.constant 81920 : i32
    %add3A_1088 = arith.addi %add3A_1083, %add3A_1087 : i32
    %add3A_1089 = vector.broadcast %add3A_1088 : i32 to vector<16xi32>
    %add3A_1090 = arith.addi %get3A_1086, %add3A_1089 : vector<16xi32>
    %swap3A_1091 = arith.constant 1312 : index
    %swap3A_1092 = tpu.vector_load %arg6[%swap3A_1091] {strides = array<i32>} : memref<2048xi32, #tpu.memory_space<vmem>>, vector<16xi32>,
    %swap3A_1093 = vector.shape_cast %swap3A_1092 : vector<16xi32> to vector<16xi32>
    %swap3A_1094 = vector.shape_cast %add3A_1090 : vector<16xi32> to vector<16xi32>
    tpu.vector_store %arg6[%swap3A_1091], %swap3A_1094 {strides = array<i32>} : memref<2048xi32, #tpu.memory_space<vmem>>, vector<16xi32>,
    %add3A_1095 = arith.constant 0 : i32
    %add3A_1096 = arith.addi %mul3A_6, %add3A_1095 : i32
    %get3A_1097 = arith.constant 48 : index
    %get3A_1098 = tpu.vector_load %arg5[%get3A_1097] {strides = array<i32>} : memref<256xi32, #tpu.memory_space<vmem>>, vector<16xi32>,
    %get3A_1099 = vector.shape_cast %get3A_1098 : vector<16xi32> to vector<16xi32>
    %add3A_1100 = arith.constant 81920 : i32
    %add3A_1101 = arith.addi %add3A_1096, %add3A_1100 : i32
    %add3A_1102 = vector.broadcast %add3A_1101 : i32 to vector<16xi32>
    %add3A_1103 = arith.addi %get3A_1099, %add3A_1102 : vector<16xi32>
    %swap3A_1104 = arith.constant 1328 : index
    %swap3A_1105 = tpu.vector_load %arg6[%swap3A_1104] {strides = array<i32>} : memref<2048xi32, #tpu.memory_space<vmem>>, vector<16xi32>,
    %swap3A_1106 = vector.shape_cast %swap3A_1105 : vector<16xi32> to vector<16xi32>
    %swap3A_1107 = vector.shape_cast %add3A_1103 : vector<16xi32> to vector<16xi32>
    tpu.vector_store %arg6[%swap3A_1104], %swap3A_1107 {strides = array<i32>} : memref<2048xi32, #tpu.memory_space<vmem>>, vector<16xi32>,
    %add3A_1108 = arith.constant 0 : i32
    %add3A_1109 = arith.addi %mul3A_6, %add3A_1108 : i32
    %get3A_1110 = arith.constant 64 : index
    %get3A_1111 = tpu.vector_load %arg5[%get3A_1110] {strides = array<i32>} : memref<256xi32, #tpu.memory_space<vmem>>, vector<16xi32>,
    %get3A_1112 = vector.shape_cast %get3A_1111 : vector<16xi32> to vector<16xi32>
    %add3A_1113 = arith.constant 81920 : i32
    %add3A_1114 = arith.addi %add3A_1109, %add3A_1113 : i32
    %add3A_1115 = vector.broadcast %add3A_1114 : i32 to vector<16xi32>
    %add3A_1116 = arith.addi %get3A_1112, %add3A_1115 : vector<16xi32>
    %swap3A_1117 = arith.constant 1344 : index
    %swap3A_1118 = tpu.vector_load %arg6[%swap3A_1117] {strides = array<i32>} : memref<2048xi32, #tpu.memory_space<vmem>>, vector<16xi32>,
    %swap3A_1119 = vector.shape_cast %swap3A_1118 : vector<16xi32> to vector<16xi32>
    %swap3A_1120 = vector.shape_cast %add3A_1116 : vector<16xi32> to vector<16xi32>
    tpu.vector_store %arg6[%swap3A_1117], %swap3A_1120 {strides = array<i32>} : memref<2048xi32, #tpu.memory_space<vmem>>, vector<16xi32>,
    %add3A_1121 = arith.constant 0 : i32
    %add3A_1122 = arith.addi %mul3A_6, %add3A_1121 : i32
    %get3A_1123 = arith.constant 80 : index
    %get3A_1124 = tpu.vector_load %arg5[%get3A_1123] {strides = array<i32>} : memref<256xi32, #tpu.memory_space<vmem>>, vector<16xi32>,
    %get3A_1125 = vector.shape_cast %get3A_1124 : vector<16xi32> to vector<16xi32>
    %add3A_1126 = arith.constant 81920 : i32
    %add3A_1127 = arith.addi %add3A_1122, %add3A_1126 : i32
    %add3A_1128 = vector.broadcast %add3A_1127 : i32 to vector<16xi32>
    %add3A_1129 = arith.addi %get3A_1125, %add3A_1128 : vector<16xi32>
    %swap3A_1130 = arith.constant 1360 : index
    %swap3A_1131 = tpu.vector_load %arg6[%swap3A_1130] {strides = array<i32>} : memref<2048xi32, #tpu.memory_space<vmem>>, vector<16xi32>,
    %swap3A_1132 = vector.shape_cast %swap3A_1131 : vector<16xi32> to vector<16xi32>
    %swap3A_1133 = vector.shape_cast %add3A_1129 : vector<16xi32> to vector<16xi32>
    tpu.vector_store %arg6[%swap3A_1130], %swap3A_1133 {strides = array<i32>} : memref<2048xi32, #tpu.memory_space<vmem>>, vector<16xi32>,
    %add3A_1134 = arith.constant 0 : i32
    %add3A_1135 = arith.addi %mul3A_6, %add3A_1134 : i32
    %get3A_1136 = arith.constant 96 : index
    %get3A_1137 = tpu.vector_load %arg5[%get3A_1136] {strides = array<i32>} : memref<256xi32, #tpu.memory_space<vmem>>, vector<16xi32>,
    %get3A_1138 = vector.shape_cast %get3A_1137 : vector<16xi32> to vector<16xi32>
    %add3A_1139 = arith.constant 81920 : i32
    %add3A_1140 = arith.addi %add3A_1135, %add3A_1139 : i32
    %add3A_1141 = vector.broadcast %add3A_1140 : i32 to vector<16xi32>
    %add3A_1142 = arith.addi %get3A_1138, %add3A_1141 : vector<16xi32>
    %swap3A_1143 = arith.constant 1376 : index
    %swap3A_1144 = tpu.vector_load %arg6[%swap3A_1143] {strides = array<i32>} : memref<2048xi32, #tpu.memory_space<vmem>>, vector<16xi32>,
    %swap3A_1145 = vector.shape_cast %swap3A_1144 : vector<16xi32> to vector<16xi32>
    %swap3A_1146 = vector.shape_cast %add3A_1142 : vector<16xi32> to vector<16xi32>
    tpu.vector_store %arg6[%swap3A_1143], %swap3A_1146 {strides = array<i32>} : memref<2048xi32, #tpu.memory_space<vmem>>, vector<16xi32>,
    %add3A_1147 = arith.constant 0 : i32
    %add3A_1148 = arith.addi %mul3A_6, %add3A_1147 : i32
    %get3A_1149 = arith.constant 112 : index
    %get3A_1150 = tpu.vector_load %arg5[%get3A_1149] {strides = array<i32>} : memref<256xi32, #tpu.memory_space<vmem>>, vector<16xi32>,
    %get3A_1151 = vector.shape_cast %get3A_1150 : vector<16xi32> to vector<16xi32>
    %add3A_1152 = arith.constant 81920 : i32
    %add3A_1153 = arith.addi %add3A_1148, %add3A_1152 : i32
    %add3A_1154 = vector.broadcast %add3A_1153 : i32 to vector<16xi32>
    %add3A_1155 = arith.addi %get3A_1151, %add3A_1154 : vector<16xi32>
    %swap3A_1156 = arith.constant 1392 : index
    %swap3A_1157 = tpu.vector_load %arg6[%swap3A_1156] {strides = array<i32>} : memref<2048xi32, #tpu.memory_space<vmem>>, vector<16xi32>,
    %swap3A_1158 = vector.shape_cast %swap3A_1157 : vector<16xi32> to vector<16xi32>
    %swap3A_1159 = vector.shape_cast %add3A_1155 : vector<16xi32> to vector<16xi32>
    tpu.vector_store %arg6[%swap3A_1156], %swap3A_1159 {strides = array<i32>} : memref<2048xi32, #tpu.memory_space<vmem>>, vector<16xi32>,
    %add3A_1160 = arith.constant 131072 : i32
    %add3A_1161 = arith.addi %mul3A_6, %add3A_1160 : i32
    %get3A_1162 = arith.constant 128 : index
    %get3A_1163 = tpu.vector_load %arg5[%get3A_1162] {strides = array<i32>} : memref<256xi32, #tpu.memory_space<vmem>>, vector<16xi32>,
    %get3A_1164 = vector.shape_cast %get3A_1163 : vector<16xi32> to vector<16xi32>
    %add3A_1165 = arith.constant 81920 : i32
    %add3A_1166 = arith.addi %add3A_1161, %add3A_1165 : i32
    %add3A_1167 = vector.broadcast %add3A_1166 : i32 to vector<16xi32>
    %add3A_1168 = arith.addi %get3A_1164, %add3A_1167 : vector<16xi32>
    %swap3A_1169 = arith.constant 1408 : index
    %swap3A_1170 = tpu.vector_load %arg6[%swap3A_1169] {strides = array<i32>} : memref<2048xi32, #tpu.memory_space<vmem>>, vector<16xi32>,
    %swap3A_1171 = vector.shape_cast %swap3A_1170 : vector<16xi32> to vector<16xi32>
    %swap3A_1172 = vector.shape_cast %add3A_1168 : vector<16xi32> to vector<16xi32>
    tpu.vector_store %arg6[%swap3A_1169], %swap3A_1172 {strides = array<i32>} : memref<2048xi32, #tpu.memory_space<vmem>>, vector<16xi32>,
    %add3A_1173 = arith.constant 131072 : i32
    %add3A_1174 = arith.addi %mul3A_6, %add3A_1173 : i32
    %get3A_1175 = arith.constant 144 : index
    %get3A_1176 = tpu.vector_load %arg5[%get3A_1175] {strides = array<i32>} : memref<256xi32, #tpu.memory_space<vmem>>, vector<16xi32>,
    %get3A_1177 = vector.shape_cast %get3A_1176 : vector<16xi32> to vector<16xi32>
    %add3A_1178 = arith.constant 81920 : i32
    %add3A_1179 = arith.addi %add3A_1174, %add3A_1178 : i32
    %add3A_1180 = vector.broadcast %add3A_1179 : i32 to vector<16xi32>
    %add3A_1181 = arith.addi %get3A_1177, %add3A_1180 : vector<16xi32>
    %swap3A_1182 = arith.constant 1424 : index
    %swap3A_1183 = tpu.vector_load %arg6[%swap3A_1182] {strides = array<i32>} : memref<2048xi32, #tpu.memory_space<vmem>>, vector<16xi32>,
    %swap3A_1184 = vector.shape_cast %swap3A_1183 : vector<16xi32> to vector<16xi32>
    %swap3A_1185 = vector.shape_cast %add3A_1181 : vector<16xi32> to vector<16xi32>
    tpu.vector_store %arg6[%swap3A_1182], %swap3A_1185 {strides = array<i32>} : memref<2048xi32, #tpu.memory_space<vmem>>, vector<16xi32>,
    %add3A_1186 = arith.constant 131072 : i32
    %add3A_1187 = arith.addi %mul3A_6, %add3A_1186 : i32
    %get3A_1188 = arith.constant 160 : index
    %get3A_1189 = tpu.vector_load %arg5[%get3A_1188] {strides = array<i32>} : memref<256xi32, #tpu.memory_space<vmem>>, vector<16xi32>,
    %get3A_1190 = vector.shape_cast %get3A_1189 : vector<16xi32> to vector<16xi32>
    %add3A_1191 = arith.constant 81920 : i32
    %add3A_1192 = arith.addi %add3A_1187, %add3A_1191 : i32
    %add3A_1193 = vector.broadcast %add3A_1192 : i32 to vector<16xi32>
    %add3A_1194 = arith.addi %get3A_1190, %add3A_1193 : vector<16xi32>
    %swap3A_1195 = arith.constant 1440 : index
    %swap3A_1196 = tpu.vector_load %arg6[%swap3A_1195] {strides = array<i32>} : memref<2048xi32, #tpu.memory_space<vmem>>, vector<16xi32>,
    %swap3A_1197 = vector.shape_cast %swap3A_1196 : vector<16xi32> to vector<16xi32>
    %swap3A_1198 = vector.shape_cast %add3A_1194 : vector<16xi32> to vector<16xi32>
    tpu.vector_store %arg6[%swap3A_1195], %swap3A_1198 {strides = array<i32>} : memref<2048xi32, #tpu.memory_space<vmem>>, vector<16xi32>,
    %add3A_1199 = arith.constant 131072 : i32
    %add3A_1200 = arith.addi %mul3A_6, %add3A_1199 : i32
    %get3A_1201 = arith.constant 176 : index
    %get3A_1202 = tpu.vector_load %arg5[%get3A_1201] {strides = array<i32>} : memref<256xi32, #tpu.memory_space<vmem>>, vector<16xi32>,
    %get3A_1203 = vector.shape_cast %get3A_1202 : vector<16xi32> to vector<16xi32>
    %add3A_1204 = arith.constant 81920 : i32
    %add3A_1205 = arith.addi %add3A_1200, %add3A_1204 : i32
    %add3A_1206 = vector.broadcast %add3A_1205 : i32 to vector<16xi32>
    %add3A_1207 = arith.addi %get3A_1203, %add3A_1206 : vector<16xi32>
    %swap3A_1208 = arith.constant 1456 : index
    %swap3A_1209 = tpu.vector_load %arg6[%swap3A_1208] {strides = array<i32>} : memref<2048xi32, #tpu.memory_space<vmem>>, vector<16xi32>,
    %swap3A_1210 = vector.shape_cast %swap3A_1209 : vector<16xi32> to vector<16xi32>
    %swap3A_1211 = vector.shape_cast %add3A_1207 : vector<16xi32> to vector<16xi32>
    tpu.vector_store %arg6[%swap3A_1208], %swap3A_1211 {strides = array<i32>} : memref<2048xi32, #tpu.memory_space<vmem>>, vector<16xi32>,
    %add3A_1212 = arith.constant 131072 : i32
    %add3A_1213 = arith.addi %mul3A_6, %add3A_1212 : i32
    %get3A_1214 = arith.constant 192 : index
    %get3A_1215 = tpu.vector_load %arg5[%get3A_1214] {strides = array<i32>} : memref<256xi32, #tpu.memory_space<vmem>>, vector<16xi32>,
    %get3A_1216 = vector.shape_cast %get3A_1215 : vector<16xi32> to vector<16xi32>
    %add3A_1217 = arith.constant 81920 : i32
    %add3A_1218 = arith.addi %add3A_1213, %add3A_1217 : i32
    %add3A_1219 = vector.broadcast %add3A_1218 : i32 to vector<16xi32>
    %add3A_1220 = arith.addi %get3A_1216, %add3A_1219 : vector<16xi32>
    %swap3A_1221 = arith.constant 1472 : index
    %swap3A_1222 = tpu.vector_load %arg6[%swap3A_1221] {strides = array<i32>} : memref<2048xi32, #tpu.memory_space<vmem>>, vector<16xi32>,
    %swap3A_1223 = vector.shape_cast %swap3A_1222 : vector<16xi32> to vector<16xi32>
    %swap3A_1224 = vector.shape_cast %add3A_1220 : vector<16xi32> to vector<16xi32>
    tpu.vector_store %arg6[%swap3A_1221], %swap3A_1224 {strides = array<i32>} : memref<2048xi32, #tpu.memory_space<vmem>>, vector<16xi32>,
    %add3A_1225 = arith.constant 131072 : i32
    %add3A_1226 = arith.addi %mul3A_6, %add3A_1225 : i32
    %get3A_1227 = arith.constant 208 : index
    %get3A_1228 = tpu.vector_load %arg5[%get3A_1227] {strides = array<i32>} : memref<256xi32, #tpu.memory_space<vmem>>, vector<16xi32>,
    %get3A_1229 = vector.shape_cast %get3A_1228 : vector<16xi32> to vector<16xi32>
    %add3A_1230 = arith.constant 81920 : i32
    %add3A_1231 = arith.addi %add3A_1226, %add3A_1230 : i32
    %add3A_1232 = vector.broadcast %add3A_1231 : i32 to vector<16xi32>
    %add3A_1233 = arith.addi %get3A_1229, %add3A_1232 : vector<16xi32>
    %swap3A_1234 = arith.constant 1488 : index
    %swap3A_1235 = tpu.vector_load %arg6[%swap3A_1234] {strides = array<i32>} : memref<2048xi32, #tpu.memory_space<vmem>>, vector<16xi32>,
    %swap3A_1236 = vector.shape_cast %swap3A_1235 : vector<16xi32> to vector<16xi32>
    %swap3A_1237 = vector.shape_cast %add3A_1233 : vector<16xi32> to vector<16xi32>
    tpu.vector_store %arg6[%swap3A_1234], %swap3A_1237 {strides = array<i32>} : memref<2048xi32, #tpu.memory_space<vmem>>, vector<16xi32>,
    %add3A_1238 = arith.constant 131072 : i32
    %add3A_1239 = arith.addi %mul3A_6, %add3A_1238 : i32
    %get3A_1240 = arith.constant 224 : index
    %get3A_1241 = tpu.vector_load %arg5[%get3A_1240] {strides = array<i32>} : memref<256xi32, #tpu.memory_space<vmem>>, vector<16xi32>,
    %get3A_1242 = vector.shape_cast %get3A_1241 : vector<16xi32> to vector<16xi32>
    %add3A_1243 = arith.constant 81920 : i32
    %add3A_1244 = arith.addi %add3A_1239, %add3A_1243 : i32
    %add3A_1245 = vector.broadcast %add3A_1244 : i32 to vector<16xi32>
    %add3A_1246 = arith.addi %get3A_1242, %add3A_1245 : vector<16xi32>
    %swap3A_1247 = arith.constant 1504 : index
    %swap3A_1248 = tpu.vector_load %arg6[%swap3A_1247] {strides = array<i32>} : memref<2048xi32, #tpu.memory_space<vmem>>, vector<16xi32>,
    %swap3A_1249 = vector.shape_cast %swap3A_1248 : vector<16xi32> to vector<16xi32>
    %swap3A_1250 = vector.shape_cast %add3A_1246 : vector<16xi32> to vector<16xi32>
    tpu.vector_store %arg6[%swap3A_1247], %swap3A_1250 {strides = array<i32>} : memref<2048xi32, #tpu.memory_space<vmem>>, vector<16xi32>,
    %add3A_1251 = arith.constant 131072 : i32
    %add3A_1252 = arith.addi %mul3A_6, %add3A_1251 : i32
    %get3A_1253 = arith.constant 240 : index
    %get3A_1254 = tpu.vector_load %arg5[%get3A_1253] {strides = array<i32>} : memref<256xi32, #tpu.memory_space<vmem>>, vector<16xi32>,
    %get3A_1255 = vector.shape_cast %get3A_1254 : vector<16xi32> to vector<16xi32>
    %add3A_1256 = arith.constant 81920 : i32
    %add3A_1257 = arith.addi %add3A_1252, %add3A_1256 : i32
    %add3A_1258 = vector.broadcast %add3A_1257 : i32 to vector<16xi32>
    %add3A_1259 = arith.addi %get3A_1255, %add3A_1258 : vector<16xi32>
    %swap3A_1260 = arith.constant 1520 : index
    %swap3A_1261 = tpu.vector_load %arg6[%swap3A_1260] {strides = array<i32>} : memref<2048xi32, #tpu.memory_space<vmem>>, vector<16xi32>,
    %swap3A_1262 = vector.shape_cast %swap3A_1261 : vector<16xi32> to vector<16xi32>
    %swap3A_1263 = vector.shape_cast %add3A_1259 : vector<16xi32> to vector<16xi32>
    tpu.vector_store %arg6[%swap3A_1260], %swap3A_1263 {strides = array<i32>} : memref<2048xi32, #tpu.memory_space<vmem>>, vector<16xi32>,
    %dma_start3A_1264 = arith.constant 1024 : i32
    %dma_start3A_1265 = tpu.memref_slice %arg7[%dma_start3A_1264] : memref<2048xf32, #tpu.memory_space<vmem>> -> memref<512xf32, #tpu.memory_space<vmem>>
    %dma_start3A_1266 = arith.constant 1024 : i32
    %dma_start3A_1267 = tpu.memref_slice %arg6[%dma_start3A_1266] : memref<2048xi32, #tpu.memory_space<vmem>> -> memref<512xi32, #tpu.memory_space<vmem>>
    %dma_start3A_1268 = arith.constant 0 : i32
    %dma_start3A_1269 = tpu.memref_slice %arg2[%dma_start3A_1268] : memref<8388608xf32, #tpu.memory_space<hbm>> -> memref<8388608xf32, #tpu.memory_space<hbm>>
    tpu.enqueue_indirect_dma source(%dma_start3A_1269 : memref<8388608xf32, #tpu.memory_space<hbm>>) target(%dma_start3A_1265 : memref<512xf32, #tpu.memory_space<vmem>>) offsets(%dma_start3A_1267 : memref<512xi32, #tpu.memory_space<vmem>>) semaphore(%arg8 : memref<!tpu.dma_semaphore, #tpu.memory_space<semaphore_mem>>)
    %add3A_1270 = arith.constant 0 : i32
    %add3A_1271 = arith.addi %mul3A_6, %add3A_1270 : i32
    %get3A_1272 = arith.constant 0 : index
    %get3A_1273 = tpu.vector_load %arg5[%get3A_1272] {strides = array<i32>} : memref<256xi32, #tpu.memory_space<vmem>>, vector<16xi32>,
    %get3A_1274 = vector.shape_cast %get3A_1273 : vector<16xi32> to vector<16xi32>
    %add3A_1275 = arith.constant 98304 : i32
    %add3A_1276 = arith.addi %add3A_1271, %add3A_1275 : i32
    %add3A_1277 = vector.broadcast %add3A_1276 : i32 to vector<16xi32>
    %add3A_1278 = arith.addi %get3A_1274, %add3A_1277 : vector<16xi32>
    %swap3A_1279 = arith.constant 1536 : index
    %swap3A_1280 = tpu.vector_load %arg6[%swap3A_1279] {strides = array<i32>} : memref<2048xi32, #tpu.memory_space<vmem>>, vector<16xi32>,
    %swap3A_1281 = vector.shape_cast %swap3A_1280 : vector<16xi32> to vector<16xi32>
    %swap3A_1282 = vector.shape_cast %add3A_1278 : vector<16xi32> to vector<16xi32>
    tpu.vector_store %arg6[%swap3A_1279], %swap3A_1282 {strides = array<i32>} : memref<2048xi32, #tpu.memory_space<vmem>>, vector<16xi32>,
    %add3A_1283 = arith.constant 0 : i32
    %add3A_1284 = arith.addi %mul3A_6, %add3A_1283 : i32
    %get3A_1285 = arith.constant 16 : index
    %get3A_1286 = tpu.vector_load %arg5[%get3A_1285] {strides = array<i32>} : memref<256xi32, #tpu.memory_space<vmem>>, vector<16xi32>,
    %get3A_1287 = vector.shape_cast %get3A_1286 : vector<16xi32> to vector<16xi32>
    %add3A_1288 = arith.constant 98304 : i32
    %add3A_1289 = arith.addi %add3A_1284, %add3A_1288 : i32
    %add3A_1290 = vector.broadcast %add3A_1289 : i32 to vector<16xi32>
    %add3A_1291 = arith.addi %get3A_1287, %add3A_1290 : vector<16xi32>
    %swap3A_1292 = arith.constant 1552 : index
    %swap3A_1293 = tpu.vector_load %arg6[%swap3A_1292] {strides = array<i32>} : memref<2048xi32, #tpu.memory_space<vmem>>, vector<16xi32>,
    %swap3A_1294 = vector.shape_cast %swap3A_1293 : vector<16xi32> to vector<16xi32>
    %swap3A_1295 = vector.shape_cast %add3A_1291 : vector<16xi32> to vector<16xi32>
    tpu.vector_store %arg6[%swap3A_1292], %swap3A_1295 {strides = array<i32>} : memref<2048xi32, #tpu.memory_space<vmem>>, vector<16xi32>,
    %add3A_1296 = arith.constant 0 : i32
    %add3A_1297 = arith.addi %mul3A_6, %add3A_1296 : i32
    %get3A_1298 = arith.constant 32 : index
    %get3A_1299 = tpu.vector_load %arg5[%get3A_1298] {strides = array<i32>} : memref<256xi32, #tpu.memory_space<vmem>>, vector<16xi32>,
    %get3A_1300 = vector.shape_cast %get3A_1299 : vector<16xi32> to vector<16xi32>
    %add3A_1301 = arith.constant 98304 : i32
    %add3A_1302 = arith.addi %add3A_1297, %add3A_1301 : i32
    %add3A_1303 = vector.broadcast %add3A_1302 : i32 to vector<16xi32>
    %add3A_1304 = arith.addi %get3A_1300, %add3A_1303 : vector<16xi32>
    %swap3A_1305 = arith.constant 1568 : index
    %swap3A_1306 = tpu.vector_load %arg6[%swap3A_1305] {strides = array<i32>} : memref<2048xi32, #tpu.memory_space<vmem>>, vector<16xi32>,
    %swap3A_1307 = vector.shape_cast %swap3A_1306 : vector<16xi32> to vector<16xi32>
    %swap3A_1308 = vector.shape_cast %add3A_1304 : vector<16xi32> to vector<16xi32>
    tpu.vector_store %arg6[%swap3A_1305], %swap3A_1308 {strides = array<i32>} : memref<2048xi32, #tpu.memory_space<vmem>>, vector<16xi32>,
    %add3A_1309 = arith.constant 0 : i32
    %add3A_1310 = arith.addi %mul3A_6, %add3A_1309 : i32
    %get3A_1311 = arith.constant 48 : index
    %get3A_1312 = tpu.vector_load %arg5[%get3A_1311] {strides = array<i32>} : memref<256xi32, #tpu.memory_space<vmem>>, vector<16xi32>,
    %get3A_1313 = vector.shape_cast %get3A_1312 : vector<16xi32> to vector<16xi32>
    %add3A_1314 = arith.constant 98304 : i32
    %add3A_1315 = arith.addi %add3A_1310, %add3A_1314 : i32
    %add3A_1316 = vector.broadcast %add3A_1315 : i32 to vector<16xi32>
    %add3A_1317 = arith.addi %get3A_1313, %add3A_1316 : vector<16xi32>
    %swap3A_1318 = arith.constant 1584 : index
    %swap3A_1319 = tpu.vector_load %arg6[%swap3A_1318] {strides = array<i32>} : memref<2048xi32, #tpu.memory_space<vmem>>, vector<16xi32>,
    %swap3A_1320 = vector.shape_cast %swap3A_1319 : vector<16xi32> to vector<16xi32>
    %swap3A_1321 = vector.shape_cast %add3A_1317 : vector<16xi32> to vector<16xi32>
    tpu.vector_store %arg6[%swap3A_1318], %swap3A_1321 {strides = array<i32>} : memref<2048xi32, #tpu.memory_space<vmem>>, vector<16xi32>,
    %add3A_1322 = arith.constant 0 : i32
    %add3A_1323 = arith.addi %mul3A_6, %add3A_1322 : i32
    %get3A_1324 = arith.constant 64 : index
    %get3A_1325 = tpu.vector_load %arg5[%get3A_1324] {strides = array<i32>} : memref<256xi32, #tpu.memory_space<vmem>>, vector<16xi32>,
    %get3A_1326 = vector.shape_cast %get3A_1325 : vector<16xi32> to vector<16xi32>
    %add3A_1327 = arith.constant 98304 : i32
    %add3A_1328 = arith.addi %add3A_1323, %add3A_1327 : i32
    %add3A_1329 = vector.broadcast %add3A_1328 : i32 to vector<16xi32>
    %add3A_1330 = arith.addi %get3A_1326, %add3A_1329 : vector<16xi32>
    %swap3A_1331 = arith.constant 1600 : index
    %swap3A_1332 = tpu.vector_load %arg6[%swap3A_1331] {strides = array<i32>} : memref<2048xi32, #tpu.memory_space<vmem>>, vector<16xi32>,
    %swap3A_1333 = vector.shape_cast %swap3A_1332 : vector<16xi32> to vector<16xi32>
    %swap3A_1334 = vector.shape_cast %add3A_1330 : vector<16xi32> to vector<16xi32>
    tpu.vector_store %arg6[%swap3A_1331], %swap3A_1334 {strides = array<i32>} : memref<2048xi32, #tpu.memory_space<vmem>>, vector<16xi32>,
    %add3A_1335 = arith.constant 0 : i32
    %add3A_1336 = arith.addi %mul3A_6, %add3A_1335 : i32
    %get3A_1337 = arith.constant 80 : index
    %get3A_1338 = tpu.vector_load %arg5[%get3A_1337] {strides = array<i32>} : memref<256xi32, #tpu.memory_space<vmem>>, vector<16xi32>,
    %get3A_1339 = vector.shape_cast %get3A_1338 : vector<16xi32> to vector<16xi32>
    %add3A_1340 = arith.constant 98304 : i32
    %add3A_1341 = arith.addi %add3A_1336, %add3A_1340 : i32
    %add3A_1342 = vector.broadcast %add3A_1341 : i32 to vector<16xi32>
    %add3A_1343 = arith.addi %get3A_1339, %add3A_1342 : vector<16xi32>
    %swap3A_1344 = arith.constant 1616 : index
    %swap3A_1345 = tpu.vector_load %arg6[%swap3A_1344] {strides = array<i32>} : memref<2048xi32, #tpu.memory_space<vmem>>, vector<16xi32>,
    %swap3A_1346 = vector.shape_cast %swap3A_1345 : vector<16xi32> to vector<16xi32>
    %swap3A_1347 = vector.shape_cast %add3A_1343 : vector<16xi32> to vector<16xi32>
    tpu.vector_store %arg6[%swap3A_1344], %swap3A_1347 {strides = array<i32>} : memref<2048xi32, #tpu.memory_space<vmem>>, vector<16xi32>,
    %add3A_1348 = arith.constant 0 : i32
    %add3A_1349 = arith.addi %mul3A_6, %add3A_1348 : i32
    %get3A_1350 = arith.constant 96 : index
    %get3A_1351 = tpu.vector_load %arg5[%get3A_1350] {strides = array<i32>} : memref<256xi32, #tpu.memory_space<vmem>>, vector<16xi32>,
    %get3A_1352 = vector.shape_cast %get3A_1351 : vector<16xi32> to vector<16xi32>
    %add3A_1353 = arith.constant 98304 : i32
    %add3A_1354 = arith.addi %add3A_1349, %add3A_1353 : i32
    %add3A_1355 = vector.broadcast %add3A_1354 : i32 to vector<16xi32>
    %add3A_1356 = arith.addi %get3A_1352, %add3A_1355 : vector<16xi32>
    %swap3A_1357 = arith.constant 1632 : index
    %swap3A_1358 = tpu.vector_load %arg6[%swap3A_1357] {strides = array<i32>} : memref<2048xi32, #tpu.memory_space<vmem>>, vector<16xi32>,
    %swap3A_1359 = vector.shape_cast %swap3A_1358 : vector<16xi32> to vector<16xi32>
    %swap3A_1360 = vector.shape_cast %add3A_1356 : vector<16xi32> to vector<16xi32>
    tpu.vector_store %arg6[%swap3A_1357], %swap3A_1360 {strides = array<i32>} : memref<2048xi32, #tpu.memory_space<vmem>>, vector<16xi32>,
    %add3A_1361 = arith.constant 0 : i32
    %add3A_1362 = arith.addi %mul3A_6, %add3A_1361 : i32
    %get3A_1363 = arith.constant 112 : index
    %get3A_1364 = tpu.vector_load %arg5[%get3A_1363] {strides = array<i32>} : memref<256xi32, #tpu.memory_space<vmem>>, vector<16xi32>,
    %get3A_1365 = vector.shape_cast %get3A_1364 : vector<16xi32> to vector<16xi32>
    %add3A_1366 = arith.constant 98304 : i32
    %add3A_1367 = arith.addi %add3A_1362, %add3A_1366 : i32
    %add3A_1368 = vector.broadcast %add3A_1367 : i32 to vector<16xi32>
    %add3A_1369 = arith.addi %get3A_1365, %add3A_1368 : vector<16xi32>
    %swap3A_1370 = arith.constant 1648 : index
    %swap3A_1371 = tpu.vector_load %arg6[%swap3A_1370] {strides = array<i32>} : memref<2048xi32, #tpu.memory_space<vmem>>, vector<16xi32>,
    %swap3A_1372 = vector.shape_cast %swap3A_1371 : vector<16xi32> to vector<16xi32>
    %swap3A_1373 = vector.shape_cast %add3A_1369 : vector<16xi32> to vector<16xi32>
    tpu.vector_store %arg6[%swap3A_1370], %swap3A_1373 {strides = array<i32>} : memref<2048xi32, #tpu.memory_space<vmem>>, vector<16xi32>,
    %add3A_1374 = arith.constant 131072 : i32
    %add3A_1375 = arith.addi %mul3A_6, %add3A_1374 : i32
    %get3A_1376 = arith.constant 128 : index
    %get3A_1377 = tpu.vector_load %arg5[%get3A_1376] {strides = array<i32>} : memref<256xi32, #tpu.memory_space<vmem>>, vector<16xi32>,
    %get3A_1378 = vector.shape_cast %get3A_1377 : vector<16xi32> to vector<16xi32>
    %add3A_1379 = arith.constant 98304 : i32
    %add3A_1380 = arith.addi %add3A_1375, %add3A_1379 : i32
    %add3A_1381 = vector.broadcast %add3A_1380 : i32 to vector<16xi32>
    %add3A_1382 = arith.addi %get3A_1378, %add3A_1381 : vector<16xi32>
    %swap3A_1383 = arith.constant 1664 : index
    %swap3A_1384 = tpu.vector_load %arg6[%swap3A_1383] {strides = array<i32>} : memref<2048xi32, #tpu.memory_space<vmem>>, vector<16xi32>,
    %swap3A_1385 = vector.shape_cast %swap3A_1384 : vector<16xi32> to vector<16xi32>
    %swap3A_1386 = vector.shape_cast %add3A_1382 : vector<16xi32> to vector<16xi32>
    tpu.vector_store %arg6[%swap3A_1383], %swap3A_1386 {strides = array<i32>} : memref<2048xi32, #tpu.memory_space<vmem>>, vector<16xi32>,
    %add3A_1387 = arith.constant 131072 : i32
    %add3A_1388 = arith.addi %mul3A_6, %add3A_1387 : i32
    %get3A_1389 = arith.constant 144 : index
    %get3A_1390 = tpu.vector_load %arg5[%get3A_1389] {strides = array<i32>} : memref<256xi32, #tpu.memory_space<vmem>>, vector<16xi32>,
    %get3A_1391 = vector.shape_cast %get3A_1390 : vector<16xi32> to vector<16xi32>
    %add3A_1392 = arith.constant 98304 : i32
    %add3A_1393 = arith.addi %add3A_1388, %add3A_1392 : i32
    %add3A_1394 = vector.broadcast %add3A_1393 : i32 to vector<16xi32>
    %add3A_1395 = arith.addi %get3A_1391, %add3A_1394 : vector<16xi32>
    %swap3A_1396 = arith.constant 1680 : index
    %swap3A_1397 = tpu.vector_load %arg6[%swap3A_1396] {strides = array<i32>} : memref<2048xi32, #tpu.memory_space<vmem>>, vector<16xi32>,
    %swap3A_1398 = vector.shape_cast %swap3A_1397 : vector<16xi32> to vector<16xi32>
    %swap3A_1399 = vector.shape_cast %add3A_1395 : vector<16xi32> to vector<16xi32>
    tpu.vector_store %arg6[%swap3A_1396], %swap3A_1399 {strides = array<i32>} : memref<2048xi32, #tpu.memory_space<vmem>>, vector<16xi32>,
    %add3A_1400 = arith.constant 131072 : i32
    %add3A_1401 = arith.addi %mul3A_6, %add3A_1400 : i32
    %get3A_1402 = arith.constant 160 : index
    %get3A_1403 = tpu.vector_load %arg5[%get3A_1402] {strides = array<i32>} : memref<256xi32, #tpu.memory_space<vmem>>, vector<16xi32>,
    %get3A_1404 = vector.shape_cast %get3A_1403 : vector<16xi32> to vector<16xi32>
    %add3A_1405 = arith.constant 98304 : i32
    %add3A_1406 = arith.addi %add3A_1401, %add3A_1405 : i32
    %add3A_1407 = vector.broadcast %add3A_1406 : i32 to vector<16xi32>
    %add3A_1408 = arith.addi %get3A_1404, %add3A_1407 : vector<16xi32>
    %swap3A_1409 = arith.constant 1696 : index
    %swap3A_1410 = tpu.vector_load %arg6[%swap3A_1409] {strides = array<i32>} : memref<2048xi32, #tpu.memory_space<vmem>>, vector<16xi32>,
    %swap3A_1411 = vector.shape_cast %swap3A_1410 : vector<16xi32> to vector<16xi32>
    %swap3A_1412 = vector.shape_cast %add3A_1408 : vector<16xi32> to vector<16xi32>
    tpu.vector_store %arg6[%swap3A_1409], %swap3A_1412 {strides = array<i32>} : memref<2048xi32, #tpu.memory_space<vmem>>, vector<16xi32>,
    %add3A_1413 = arith.constant 131072 : i32
    %add3A_1414 = arith.addi %mul3A_6, %add3A_1413 : i32
    %get3A_1415 = arith.constant 176 : index
    %get3A_1416 = tpu.vector_load %arg5[%get3A_1415] {strides = array<i32>} : memref<256xi32, #tpu.memory_space<vmem>>, vector<16xi32>,
    %get3A_1417 = vector.shape_cast %get3A_1416 : vector<16xi32> to vector<16xi32>
    %add3A_1418 = arith.constant 98304 : i32
    %add3A_1419 = arith.addi %add3A_1414, %add3A_1418 : i32
    %add3A_1420 = vector.broadcast %add3A_1419 : i32 to vector<16xi32>
    %add3A_1421 = arith.addi %get3A_1417, %add3A_1420 : vector<16xi32>
    %swap3A_1422 = arith.constant 1712 : index
    %swap3A_1423 = tpu.vector_load %arg6[%swap3A_1422] {strides = array<i32>} : memref<2048xi32, #tpu.memory_space<vmem>>, vector<16xi32>,
    %swap3A_1424 = vector.shape_cast %swap3A_1423 : vector<16xi32> to vector<16xi32>
    %swap3A_1425 = vector.shape_cast %add3A_1421 : vector<16xi32> to vector<16xi32>
    tpu.vector_store %arg6[%swap3A_1422], %swap3A_1425 {strides = array<i32>} : memref<2048xi32, #tpu.memory_space<vmem>>, vector<16xi32>,
    %add3A_1426 = arith.constant 131072 : i32
    %add3A_1427 = arith.addi %mul3A_6, %add3A_1426 : i32
    %get3A_1428 = arith.constant 192 : index
    %get3A_1429 = tpu.vector_load %arg5[%get3A_1428] {strides = array<i32>} : memref<256xi32, #tpu.memory_space<vmem>>, vector<16xi32>,
    %get3A_1430 = vector.shape_cast %get3A_1429 : vector<16xi32> to vector<16xi32>
    %add3A_1431 = arith.constant 98304 : i32
    %add3A_1432 = arith.addi %add3A_1427, %add3A_1431 : i32
    %add3A_1433 = vector.broadcast %add3A_1432 : i32 to vector<16xi32>
    %add3A_1434 = arith.addi %get3A_1430, %add3A_1433 : vector<16xi32>
    %swap3A_1435 = arith.constant 1728 : index
    %swap3A_1436 = tpu.vector_load %arg6[%swap3A_1435] {strides = array<i32>} : memref<2048xi32, #tpu.memory_space<vmem>>, vector<16xi32>,
    %swap3A_1437 = vector.shape_cast %swap3A_1436 : vector<16xi32> to vector<16xi32>
    %swap3A_1438 = vector.shape_cast %add3A_1434 : vector<16xi32> to vector<16xi32>
    tpu.vector_store %arg6[%swap3A_1435], %swap3A_1438 {strides = array<i32>} : memref<2048xi32, #tpu.memory_space<vmem>>, vector<16xi32>,
    %add3A_1439 = arith.constant 131072 : i32
    %add3A_1440 = arith.addi %mul3A_6, %add3A_1439 : i32
    %get3A_1441 = arith.constant 208 : index
    %get3A_1442 = tpu.vector_load %arg5[%get3A_1441] {strides = array<i32>} : memref<256xi32, #tpu.memory_space<vmem>>, vector<16xi32>,
    %get3A_1443 = vector.shape_cast %get3A_1442 : vector<16xi32> to vector<16xi32>
    %add3A_1444 = arith.constant 98304 : i32
    %add3A_1445 = arith.addi %add3A_1440, %add3A_1444 : i32
    %add3A_1446 = vector.broadcast %add3A_1445 : i32 to vector<16xi32>
    %add3A_1447 = arith.addi %get3A_1443, %add3A_1446 : vector<16xi32>
    %swap3A_1448 = arith.constant 1744 : index
    %swap3A_1449 = tpu.vector_load %arg6[%swap3A_1448] {strides = array<i32>} : memref<2048xi32, #tpu.memory_space<vmem>>, vector<16xi32>,
    %swap3A_1450 = vector.shape_cast %swap3A_1449 : vector<16xi32> to vector<16xi32>
    %swap3A_1451 = vector.shape_cast %add3A_1447 : vector<16xi32> to vector<16xi32>
    tpu.vector_store %arg6[%swap3A_1448], %swap3A_1451 {strides = array<i32>} : memref<2048xi32, #tpu.memory_space<vmem>>, vector<16xi32>,
    %add3A_1452 = arith.constant 131072 : i32
    %add3A_1453 = arith.addi %mul3A_6, %add3A_1452 : i32
    %get3A_1454 = arith.constant 224 : index
    %get3A_1455 = tpu.vector_load %arg5[%get3A_1454] {strides = array<i32>} : memref<256xi32, #tpu.memory_space<vmem>>, vector<16xi32>,
    %get3A_1456 = vector.shape_cast %get3A_1455 : vector<16xi32> to vector<16xi32>
    %add3A_1457 = arith.constant 98304 : i32
    %add3A_1458 = arith.addi %add3A_1453, %add3A_1457 : i32
    %add3A_1459 = vector.broadcast %add3A_1458 : i32 to vector<16xi32>
    %add3A_1460 = arith.addi %get3A_1456, %add3A_1459 : vector<16xi32>
    %swap3A_1461 = arith.constant 1760 : index
    %swap3A_1462 = tpu.vector_load %arg6[%swap3A_1461] {strides = array<i32>} : memref<2048xi32, #tpu.memory_space<vmem>>, vector<16xi32>,
    %swap3A_1463 = vector.shape_cast %swap3A_1462 : vector<16xi32> to vector<16xi32>
    %swap3A_1464 = vector.shape_cast %add3A_1460 : vector<16xi32> to vector<16xi32>
    tpu.vector_store %arg6[%swap3A_1461], %swap3A_1464 {strides = array<i32>} : memref<2048xi32, #tpu.memory_space<vmem>>, vector<16xi32>,
    %add3A_1465 = arith.constant 131072 : i32
    %add3A_1466 = arith.addi %mul3A_6, %add3A_1465 : i32
    %get3A_1467 = arith.constant 240 : index
    %get3A_1468 = tpu.vector_load %arg5[%get3A_1467] {strides = array<i32>} : memref<256xi32, #tpu.memory_space<vmem>>, vector<16xi32>,
    %get3A_1469 = vector.shape_cast %get3A_1468 : vector<16xi32> to vector<16xi32>
    %add3A_1470 = arith.constant 98304 : i32
    %add3A_1471 = arith.addi %add3A_1466, %add3A_1470 : i32
    %add3A_1472 = vector.broadcast %add3A_1471 : i32 to vector<16xi32>
    %add3A_1473 = arith.addi %get3A_1469, %add3A_1472 : vector<16xi32>
    %swap3A_1474 = arith.constant 1776 : index
    %swap3A_1475 = tpu.vector_load %arg6[%swap3A_1474] {strides = array<i32>} : memref<2048xi32, #tpu.memory_space<vmem>>, vector<16xi32>,
    %swap3A_1476 = vector.shape_cast %swap3A_1475 : vector<16xi32> to vector<16xi32>
    %swap3A_1477 = vector.shape_cast %add3A_1473 : vector<16xi32> to vector<16xi32>
    tpu.vector_store %arg6[%swap3A_1474], %swap3A_1477 {strides = array<i32>} : memref<2048xi32, #tpu.memory_space<vmem>>, vector<16xi32>,
    %add3A_1478 = arith.constant 0 : i32
    %add3A_1479 = arith.addi %mul3A_6, %add3A_1478 : i32
    %get3A_1480 = arith.constant 0 : index
    %get3A_1481 = tpu.vector_load %arg5[%get3A_1480] {strides = array<i32>} : memref<256xi32, #tpu.memory_space<vmem>>, vector<16xi32>,
    %get3A_1482 = vector.shape_cast %get3A_1481 : vector<16xi32> to vector<16xi32>
    %add3A_1483 = arith.constant 114688 : i32
    %add3A_1484 = arith.addi %add3A_1479, %add3A_1483 : i32
    %add3A_1485 = vector.broadcast %add3A_1484 : i32 to vector<16xi32>
    %add3A_1486 = arith.addi %get3A_1482, %add3A_1485 : vector<16xi32>
    %swap3A_1487 = arith.constant 1792 : index
    %swap3A_1488 = tpu.vector_load %arg6[%swap3A_1487] {strides = array<i32>} : memref<2048xi32, #tpu.memory_space<vmem>>, vector<16xi32>,
    %swap3A_1489 = vector.shape_cast %swap3A_1488 : vector<16xi32> to vector<16xi32>
    %swap3A_1490 = vector.shape_cast %add3A_1486 : vector<16xi32> to vector<16xi32>
    tpu.vector_store %arg6[%swap3A_1487], %swap3A_1490 {strides = array<i32>} : memref<2048xi32, #tpu.memory_space<vmem>>, vector<16xi32>,
    %add3A_1491 = arith.constant 0 : i32
    %add3A_1492 = arith.addi %mul3A_6, %add3A_1491 : i32
    %get3A_1493 = arith.constant 16 : index
    %get3A_1494 = tpu.vector_load %arg5[%get3A_1493] {strides = array<i32>} : memref<256xi32, #tpu.memory_space<vmem>>, vector<16xi32>,
    %get3A_1495 = vector.shape_cast %get3A_1494 : vector<16xi32> to vector<16xi32>
    %add3A_1496 = arith.constant 114688 : i32
    %add3A_1497 = arith.addi %add3A_1492, %add3A_1496 : i32
    %add3A_1498 = vector.broadcast %add3A_1497 : i32 to vector<16xi32>
    %add3A_1499 = arith.addi %get3A_1495, %add3A_1498 : vector<16xi32>
    %swap3A_1500 = arith.constant 1808 : index
    %swap3A_1501 = tpu.vector_load %arg6[%swap3A_1500] {strides = array<i32>} : memref<2048xi32, #tpu.memory_space<vmem>>, vector<16xi32>,
    %swap3A_1502 = vector.shape_cast %swap3A_1501 : vector<16xi32> to vector<16xi32>
    %swap3A_1503 = vector.shape_cast %add3A_1499 : vector<16xi32> to vector<16xi32>
    tpu.vector_store %arg6[%swap3A_1500], %swap3A_1503 {strides = array<i32>} : memref<2048xi32, #tpu.memory_space<vmem>>, vector<16xi32>,
    %add3A_1504 = arith.constant 0 : i32
    %add3A_1505 = arith.addi %mul3A_6, %add3A_1504 : i32
    %get3A_1506 = arith.constant 32 : index
    %get3A_1507 = tpu.vector_load %arg5[%get3A_1506] {strides = array<i32>} : memref<256xi32, #tpu.memory_space<vmem>>, vector<16xi32>,
    %get3A_1508 = vector.shape_cast %get3A_1507 : vector<16xi32> to vector<16xi32>
    %add3A_1509 = arith.constant 114688 : i32
    %add3A_1510 = arith.addi %add3A_1505, %add3A_1509 : i32
    %add3A_1511 = vector.broadcast %add3A_1510 : i32 to vector<16xi32>
    %add3A_1512 = arith.addi %get3A_1508, %add3A_1511 : vector<16xi32>
    %swap3A_1513 = arith.constant 1824 : index
    %swap3A_1514 = tpu.vector_load %arg6[%swap3A_1513] {strides = array<i32>} : memref<2048xi32, #tpu.memory_space<vmem>>, vector<16xi32>,
    %swap3A_1515 = vector.shape_cast %swap3A_1514 : vector<16xi32> to vector<16xi32>
    %swap3A_1516 = vector.shape_cast %add3A_1512 : vector<16xi32> to vector<16xi32>
    tpu.vector_store %arg6[%swap3A_1513], %swap3A_1516 {strides = array<i32>} : memref<2048xi32, #tpu.memory_space<vmem>>, vector<16xi32>,
    %add3A_1517 = arith.constant 0 : i32
    %add3A_1518 = arith.addi %mul3A_6, %add3A_1517 : i32
    %get3A_1519 = arith.constant 48 : index
    %get3A_1520 = tpu.vector_load %arg5[%get3A_1519] {strides = array<i32>} : memref<256xi32, #tpu.memory_space<vmem>>, vector<16xi32>,
    %get3A_1521 = vector.shape_cast %get3A_1520 : vector<16xi32> to vector<16xi32>
    %add3A_1522 = arith.constant 114688 : i32
    %add3A_1523 = arith.addi %add3A_1518, %add3A_1522 : i32
    %add3A_1524 = vector.broadcast %add3A_1523 : i32 to vector<16xi32>
    %add3A_1525 = arith.addi %get3A_1521, %add3A_1524 : vector<16xi32>
    %swap3A_1526 = arith.constant 1840 : index
    %swap3A_1527 = tpu.vector_load %arg6[%swap3A_1526] {strides = array<i32>} : memref<2048xi32, #tpu.memory_space<vmem>>, vector<16xi32>,
    %swap3A_1528 = vector.shape_cast %swap3A_1527 : vector<16xi32> to vector<16xi32>
    %swap3A_1529 = vector.shape_cast %add3A_1525 : vector<16xi32> to vector<16xi32>
    tpu.vector_store %arg6[%swap3A_1526], %swap3A_1529 {strides = array<i32>} : memref<2048xi32, #tpu.memory_space<vmem>>, vector<16xi32>,
    %add3A_1530 = arith.constant 0 : i32
    %add3A_1531 = arith.addi %mul3A_6, %add3A_1530 : i32
    %get3A_1532 = arith.constant 64 : index
    %get3A_1533 = tpu.vector_load %arg5[%get3A_1532] {strides = array<i32>} : memref<256xi32, #tpu.memory_space<vmem>>, vector<16xi32>,
    %get3A_1534 = vector.shape_cast %get3A_1533 : vector<16xi32> to vector<16xi32>
    %add3A_1535 = arith.constant 114688 : i32
    %add3A_1536 = arith.addi %add3A_1531, %add3A_1535 : i32
    %add3A_1537 = vector.broadcast %add3A_1536 : i32 to vector<16xi32>
    %add3A_1538 = arith.addi %get3A_1534, %add3A_1537 : vector<16xi32>
    %swap3A_1539 = arith.constant 1856 : index
    %swap3A_1540 = tpu.vector_load %arg6[%swap3A_1539] {strides = array<i32>} : memref<2048xi32, #tpu.memory_space<vmem>>, vector<16xi32>,
    %swap3A_1541 = vector.shape_cast %swap3A_1540 : vector<16xi32> to vector<16xi32>
    %swap3A_1542 = vector.shape_cast %add3A_1538 : vector<16xi32> to vector<16xi32>
    tpu.vector_store %arg6[%swap3A_1539], %swap3A_1542 {strides = array<i32>} : memref<2048xi32, #tpu.memory_space<vmem>>, vector<16xi32>,
    %add3A_1543 = arith.constant 0 : i32
    %add3A_1544 = arith.addi %mul3A_6, %add3A_1543 : i32
    %get3A_1545 = arith.constant 80 : index
    %get3A_1546 = tpu.vector_load %arg5[%get3A_1545] {strides = array<i32>} : memref<256xi32, #tpu.memory_space<vmem>>, vector<16xi32>,
    %get3A_1547 = vector.shape_cast %get3A_1546 : vector<16xi32> to vector<16xi32>
    %add3A_1548 = arith.constant 114688 : i32
    %add3A_1549 = arith.addi %add3A_1544, %add3A_1548 : i32
    %add3A_1550 = vector.broadcast %add3A_1549 : i32 to vector<16xi32>
    %add3A_1551 = arith.addi %get3A_1547, %add3A_1550 : vector<16xi32>
    %swap3A_1552 = arith.constant 1872 : index
    %swap3A_1553 = tpu.vector_load %arg6[%swap3A_1552] {strides = array<i32>} : memref<2048xi32, #tpu.memory_space<vmem>>, vector<16xi32>,
    %swap3A_1554 = vector.shape_cast %swap3A_1553 : vector<16xi32> to vector<16xi32>
    %swap3A_1555 = vector.shape_cast %add3A_1551 : vector<16xi32> to vector<16xi32>
    tpu.vector_store %arg6[%swap3A_1552], %swap3A_1555 {strides = array<i32>} : memref<2048xi32, #tpu.memory_space<vmem>>, vector<16xi32>,
    %add3A_1556 = arith.constant 0 : i32
    %add3A_1557 = arith.addi %mul3A_6, %add3A_1556 : i32
    %get3A_1558 = arith.constant 96 : index
    %get3A_1559 = tpu.vector_load %arg5[%get3A_1558] {strides = array<i32>} : memref<256xi32, #tpu.memory_space<vmem>>, vector<16xi32>,
    %get3A_1560 = vector.shape_cast %get3A_1559 : vector<16xi32> to vector<16xi32>
    %add3A_1561 = arith.constant 114688 : i32
    %add3A_1562 = arith.addi %add3A_1557, %add3A_1561 : i32
    %add3A_1563 = vector.broadcast %add3A_1562 : i32 to vector<16xi32>
    %add3A_1564 = arith.addi %get3A_1560, %add3A_1563 : vector<16xi32>
    %swap3A_1565 = arith.constant 1888 : index
    %swap3A_1566 = tpu.vector_load %arg6[%swap3A_1565] {strides = array<i32>} : memref<2048xi32, #tpu.memory_space<vmem>>, vector<16xi32>,
    %swap3A_1567 = vector.shape_cast %swap3A_1566 : vector<16xi32> to vector<16xi32>
    %swap3A_1568 = vector.shape_cast %add3A_1564 : vector<16xi32> to vector<16xi32>
    tpu.vector_store %arg6[%swap3A_1565], %swap3A_1568 {strides = array<i32>} : memref<2048xi32, #tpu.memory_space<vmem>>, vector<16xi32>,
    %add3A_1569 = arith.constant 0 : i32
    %add3A_1570 = arith.addi %mul3A_6, %add3A_1569 : i32
    %get3A_1571 = arith.constant 112 : index
    %get3A_1572 = tpu.vector_load %arg5[%get3A_1571] {strides = array<i32>} : memref<256xi32, #tpu.memory_space<vmem>>, vector<16xi32>,
    %get3A_1573 = vector.shape_cast %get3A_1572 : vector<16xi32> to vector<16xi32>
    %add3A_1574 = arith.constant 114688 : i32
    %add3A_1575 = arith.addi %add3A_1570, %add3A_1574 : i32
    %add3A_1576 = vector.broadcast %add3A_1575 : i32 to vector<16xi32>
    %add3A_1577 = arith.addi %get3A_1573, %add3A_1576 : vector<16xi32>
    %swap3A_1578 = arith.constant 1904 : index
    %swap3A_1579 = tpu.vector_load %arg6[%swap3A_1578] {strides = array<i32>} : memref<2048xi32, #tpu.memory_space<vmem>>, vector<16xi32>,
    %swap3A_1580 = vector.shape_cast %swap3A_1579 : vector<16xi32> to vector<16xi32>
    %swap3A_1581 = vector.shape_cast %add3A_1577 : vector<16xi32> to vector<16xi32>
    tpu.vector_store %arg6[%swap3A_1578], %swap3A_1581 {strides = array<i32>} : memref<2048xi32, #tpu.memory_space<vmem>>, vector<16xi32>,
    %add3A_1582 = arith.constant 131072 : i32
    %add3A_1583 = arith.addi %mul3A_6, %add3A_1582 : i32
    %get3A_1584 = arith.constant 128 : index
    %get3A_1585 = tpu.vector_load %arg5[%get3A_1584] {strides = array<i32>} : memref<256xi32, #tpu.memory_space<vmem>>, vector<16xi32>,
    %get3A_1586 = vector.shape_cast %get3A_1585 : vector<16xi32> to vector<16xi32>
    %add3A_1587 = arith.constant 114688 : i32
    %add3A_1588 = arith.addi %add3A_1583, %add3A_1587 : i32
    %add3A_1589 = vector.broadcast %add3A_1588 : i32 to vector<16xi32>
    %add3A_1590 = arith.addi %get3A_1586, %add3A_1589 : vector<16xi32>
    %swap3A_1591 = arith.constant 1920 : index
    %swap3A_1592 = tpu.vector_load %arg6[%swap3A_1591] {strides = array<i32>} : memref<2048xi32, #tpu.memory_space<vmem>>, vector<16xi32>,
    %swap3A_1593 = vector.shape_cast %swap3A_1592 : vector<16xi32> to vector<16xi32>
    %swap3A_1594 = vector.shape_cast %add3A_1590 : vector<16xi32> to vector<16xi32>
    tpu.vector_store %arg6[%swap3A_1591], %swap3A_1594 {strides = array<i32>} : memref<2048xi32, #tpu.memory_space<vmem>>, vector<16xi32>,
    %add3A_1595 = arith.constant 131072 : i32
    %add3A_1596 = arith.addi %mul3A_6, %add3A_1595 : i32
    %get3A_1597 = arith.constant 144 : index
    %get3A_1598 = tpu.vector_load %arg5[%get3A_1597] {strides = array<i32>} : memref<256xi32, #tpu.memory_space<vmem>>, vector<16xi32>,
    %get3A_1599 = vector.shape_cast %get3A_1598 : vector<16xi32> to vector<16xi32>
    %add3A_1600 = arith.constant 114688 : i32
    %add3A_1601 = arith.addi %add3A_1596, %add3A_1600 : i32
    %add3A_1602 = vector.broadcast %add3A_1601 : i32 to vector<16xi32>
    %add3A_1603 = arith.addi %get3A_1599, %add3A_1602 : vector<16xi32>
    %swap3A_1604 = arith.constant 1936 : index
    %swap3A_1605 = tpu.vector_load %arg6[%swap3A_1604] {strides = array<i32>} : memref<2048xi32, #tpu.memory_space<vmem>>, vector<16xi32>,
    %swap3A_1606 = vector.shape_cast %swap3A_1605 : vector<16xi32> to vector<16xi32>
    %swap3A_1607 = vector.shape_cast %add3A_1603 : vector<16xi32> to vector<16xi32>
    tpu.vector_store %arg6[%swap3A_1604], %swap3A_1607 {strides = array<i32>} : memref<2048xi32, #tpu.memory_space<vmem>>, vector<16xi32>,
    %add3A_1608 = arith.constant 131072 : i32
    %add3A_1609 = arith.addi %mul3A_6, %add3A_1608 : i32
    %get3A_1610 = arith.constant 160 : index
    %get3A_1611 = tpu.vector_load %arg5[%get3A_1610] {strides = array<i32>} : memref<256xi32, #tpu.memory_space<vmem>>, vector<16xi32>,
    %get3A_1612 = vector.shape_cast %get3A_1611 : vector<16xi32> to vector<16xi32>
    %add3A_1613 = arith.constant 114688 : i32
    %add3A_1614 = arith.addi %add3A_1609, %add3A_1613 : i32
    %add3A_1615 = vector.broadcast %add3A_1614 : i32 to vector<16xi32>
    %add3A_1616 = arith.addi %get3A_1612, %add3A_1615 : vector<16xi32>
    %swap3A_1617 = arith.constant 1952 : index
    %swap3A_1618 = tpu.vector_load %arg6[%swap3A_1617] {strides = array<i32>} : memref<2048xi32, #tpu.memory_space<vmem>>, vector<16xi32>,
    %swap3A_1619 = vector.shape_cast %swap3A_1618 : vector<16xi32> to vector<16xi32>
    %swap3A_1620 = vector.shape_cast %add3A_1616 : vector<16xi32> to vector<16xi32>
    tpu.vector_store %arg6[%swap3A_1617], %swap3A_1620 {strides = array<i32>} : memref<2048xi32, #tpu.memory_space<vmem>>, vector<16xi32>,
    %add3A_1621 = arith.constant 131072 : i32
    %add3A_1622 = arith.addi %mul3A_6, %add3A_1621 : i32
    %get3A_1623 = arith.constant 176 : index
    %get3A_1624 = tpu.vector_load %arg5[%get3A_1623] {strides = array<i32>} : memref<256xi32, #tpu.memory_space<vmem>>, vector<16xi32>,
    %get3A_1625 = vector.shape_cast %get3A_1624 : vector<16xi32> to vector<16xi32>
    %add3A_1626 = arith.constant 114688 : i32
    %add3A_1627 = arith.addi %add3A_1622, %add3A_1626 : i32
    %add3A_1628 = vector.broadcast %add3A_1627 : i32 to vector<16xi32>
    %add3A_1629 = arith.addi %get3A_1625, %add3A_1628 : vector<16xi32>
    %swap3A_1630 = arith.constant 1968 : index
    %swap3A_1631 = tpu.vector_load %arg6[%swap3A_1630] {strides = array<i32>} : memref<2048xi32, #tpu.memory_space<vmem>>, vector<16xi32>,
    %swap3A_1632 = vector.shape_cast %swap3A_1631 : vector<16xi32> to vector<16xi32>
    %swap3A_1633 = vector.shape_cast %add3A_1629 : vector<16xi32> to vector<16xi32>
    tpu.vector_store %arg6[%swap3A_1630], %swap3A_1633 {strides = array<i32>} : memref<2048xi32, #tpu.memory_space<vmem>>, vector<16xi32>,
    %add3A_1634 = arith.constant 131072 : i32
    %add3A_1635 = arith.addi %mul3A_6, %add3A_1634 : i32
    %get3A_1636 = arith.constant 192 : index
    %get3A_1637 = tpu.vector_load %arg5[%get3A_1636] {strides = array<i32>} : memref<256xi32, #tpu.memory_space<vmem>>, vector<16xi32>,
    %get3A_1638 = vector.shape_cast %get3A_1637 : vector<16xi32> to vector<16xi32>
    %add3A_1639 = arith.constant 114688 : i32
    %add3A_1640 = arith.addi %add3A_1635, %add3A_1639 : i32
    %add3A_1641 = vector.broadcast %add3A_1640 : i32 to vector<16xi32>
    %add3A_1642 = arith.addi %get3A_1638, %add3A_1641 : vector<16xi32>
    %swap3A_1643 = arith.constant 1984 : index
    %swap3A_1644 = tpu.vector_load %arg6[%swap3A_1643] {strides = array<i32>} : memref<2048xi32, #tpu.memory_space<vmem>>, vector<16xi32>,
    %swap3A_1645 = vector.shape_cast %swap3A_1644 : vector<16xi32> to vector<16xi32>
    %swap3A_1646 = vector.shape_cast %add3A_1642 : vector<16xi32> to vector<16xi32>
    tpu.vector_store %arg6[%swap3A_1643], %swap3A_1646 {strides = array<i32>} : memref<2048xi32, #tpu.memory_space<vmem>>, vector<16xi32>,
    %add3A_1647 = arith.constant 131072 : i32
    %add3A_1648 = arith.addi %mul3A_6, %add3A_1647 : i32
    %get3A_1649 = arith.constant 208 : index
    %get3A_1650 = tpu.vector_load %arg5[%get3A_1649] {strides = array<i32>} : memref<256xi32, #tpu.memory_space<vmem>>, vector<16xi32>,
    %get3A_1651 = vector.shape_cast %get3A_1650 : vector<16xi32> to vector<16xi32>
    %add3A_1652 = arith.constant 114688 : i32
    %add3A_1653 = arith.addi %add3A_1648, %add3A_1652 : i32
    %add3A_1654 = vector.broadcast %add3A_1653 : i32 to vector<16xi32>
    %add3A_1655 = arith.addi %get3A_1651, %add3A_1654 : vector<16xi32>
    %swap3A_1656 = arith.constant 2000 : index
    %swap3A_1657 = tpu.vector_load %arg6[%swap3A_1656] {strides = array<i32>} : memref<2048xi32, #tpu.memory_space<vmem>>, vector<16xi32>,
    %swap3A_1658 = vector.shape_cast %swap3A_1657 : vector<16xi32> to vector<16xi32>
    %swap3A_1659 = vector.shape_cast %add3A_1655 : vector<16xi32> to vector<16xi32>
    tpu.vector_store %arg6[%swap3A_1656], %swap3A_1659 {strides = array<i32>} : memref<2048xi32, #tpu.memory_space<vmem>>, vector<16xi32>,
    %add3A_1660 = arith.constant 131072 : i32
    %add3A_1661 = arith.addi %mul3A_6, %add3A_1660 : i32
    %get3A_1662 = arith.constant 224 : index
    %get3A_1663 = tpu.vector_load %arg5[%get3A_1662] {strides = array<i32>} : memref<256xi32, #tpu.memory_space<vmem>>, vector<16xi32>,
    %get3A_1664 = vector.shape_cast %get3A_1663 : vector<16xi32> to vector<16xi32>
    %add3A_1665 = arith.constant 114688 : i32
    %add3A_1666 = arith.addi %add3A_1661, %add3A_1665 : i32
    %add3A_1667 = vector.broadcast %add3A_1666 : i32 to vector<16xi32>
    %add3A_1668 = arith.addi %get3A_1664, %add3A_1667 : vector<16xi32>
    %swap3A_1669 = arith.constant 2016 : index
    %swap3A_1670 = tpu.vector_load %arg6[%swap3A_1669] {strides = array<i32>} : memref<2048xi32, #tpu.memory_space<vmem>>, vector<16xi32>,
    %swap3A_1671 = vector.shape_cast %swap3A_1670 : vector<16xi32> to vector<16xi32>
    %swap3A_1672 = vector.shape_cast %add3A_1668 : vector<16xi32> to vector<16xi32>
    tpu.vector_store %arg6[%swap3A_1669], %swap3A_1672 {strides = array<i32>} : memref<2048xi32, #tpu.memory_space<vmem>>, vector<16xi32>,
    %add3A_1673 = arith.constant 131072 : i32
    %add3A_1674 = arith.addi %mul3A_6, %add3A_1673 : i32
    %get3A_1675 = arith.constant 240 : index
    %get3A_1676 = tpu.vector_load %arg5[%get3A_1675] {strides = array<i32>} : memref<256xi32, #tpu.memory_space<vmem>>, vector<16xi32>,
    %get3A_1677 = vector.shape_cast %get3A_1676 : vector<16xi32> to vector<16xi32>
    %add3A_1678 = arith.constant 114688 : i32
    %add3A_1679 = arith.addi %add3A_1674, %add3A_1678 : i32
    %add3A_1680 = vector.broadcast %add3A_1679 : i32 to vector<16xi32>
    %add3A_1681 = arith.addi %get3A_1677, %add3A_1680 : vector<16xi32>
    %swap3A_1682 = arith.constant 2032 : index
    %swap3A_1683 = tpu.vector_load %arg6[%swap3A_1682] {strides = array<i32>} : memref<2048xi32, #tpu.memory_space<vmem>>, vector<16xi32>,
    %swap3A_1684 = vector.shape_cast %swap3A_1683 : vector<16xi32> to vector<16xi32>
    %swap3A_1685 = vector.shape_cast %add3A_1681 : vector<16xi32> to vector<16xi32>
    tpu.vector_store %arg6[%swap3A_1682], %swap3A_1685 {strides = array<i32>} : memref<2048xi32, #tpu.memory_space<vmem>>, vector<16xi32>,
    %dma_start3A_1686 = arith.constant 1536 : i32
    %dma_start3A_1687 = tpu.memref_slice %arg7[%dma_start3A_1686] : memref<2048xf32, #tpu.memory_space<vmem>> -> memref<512xf32, #tpu.memory_space<vmem>>
    %dma_start3A_1688 = arith.constant 1536 : i32
    %dma_start3A_1689 = tpu.memref_slice %arg6[%dma_start3A_1688] : memref<2048xi32, #tpu.memory_space<vmem>> -> memref<512xi32, #tpu.memory_space<vmem>>
    %dma_start3A_1690 = arith.constant 0 : i32
    %dma_start3A_1691 = tpu.memref_slice %arg2[%dma_start3A_1690] : memref<8388608xf32, #tpu.memory_space<hbm>> -> memref<8388608xf32, #tpu.memory_space<hbm>>
    tpu.enqueue_indirect_dma source(%dma_start3A_1691 : memref<8388608xf32, #tpu.memory_space<hbm>>) target(%dma_start3A_1687 : memref<512xf32, #tpu.memory_space<vmem>>) offsets(%dma_start3A_1689 : memref<512xi32, #tpu.memory_space<vmem>>) semaphore(%arg8 : memref<!tpu.dma_semaphore, #tpu.memory_space<semaphore_mem>>)
    %dma_wait3A = arith.constant 0 : i32
    %dma_wait3A_1692 = tpu.memref_slice %arg7[%dma_wait3A] : memref<2048xf32, #tpu.memory_space<vmem>> -> memref<512xf32, #tpu.memory_space<vmem>>
    %dma_wait3A_1693 = arith.constant 0 : i32
    %dma_wait3A_1694 = tpu.memref_slice %arg6[%dma_wait3A_1693] : memref<2048xi32, #tpu.memory_space<vmem>> -> memref<512xi32, #tpu.memory_space<vmem>>
    %dma_wait3A_1695 = arith.constant 0 : i32
    %dma_wait3A_1696 = tpu.memref_slice %arg2[%dma_wait3A_1695] : memref<8388608xf32, #tpu.memory_space<hbm>> -> memref<8388608xf32, #tpu.memory_space<hbm>>
    tpu.wait_indirect_dma semaphore(%arg8 : memref<!tpu.dma_semaphore, #tpu.memory_space<semaphore_mem>>) src(%dma_wait3A_1696 : memref<8388608xf32, #tpu.memory_space<hbm>>) dst(%dma_wait3A_1692 : memref<512xf32, #tpu.memory_space<vmem>>)
    %dma_wait3A_1697 = arith.constant 512 : i32
    %dma_wait3A_1698 = tpu.memref_slice %arg7[%dma_wait3A_1697] : memref<2048xf32, #tpu.memory_space<vmem>> -> memref<512xf32, #tpu.memory_space<vmem>>
    %dma_wait3A_1699 = arith.constant 512 : i32
    %dma_wait3A_1700 = tpu.memref_slice %arg6[%dma_wait3A_1699] : memref<2048xi32, #tpu.memory_space<vmem>> -> memref<512xi32, #tpu.memory_space<vmem>>
    %dma_wait3A_1701 = arith.constant 0 : i32
    %dma_wait3A_1702 = tpu.memref_slice %arg2[%dma_wait3A_1701] : memref<8388608xf32, #tpu.memory_space<hbm>> -> memref<8388608xf32, #tpu.memory_space<hbm>>
    tpu.wait_indirect_dma semaphore(%arg8 : memref<!tpu.dma_semaphore, #tpu.memory_space<semaphore_mem>>) src(%dma_wait3A_1702 : memref<8388608xf32, #tpu.memory_space<hbm>>) dst(%dma_wait3A_1698 : memref<512xf32, #tpu.memory_space<vmem>>)
    %dma_wait3A_1703 = arith.constant 1024 : i32
    %dma_wait3A_1704 = tpu.memref_slice %arg7[%dma_wait3A_1703] : memref<2048xf32, #tpu.memory_space<vmem>> -> memref<512xf32, #tpu.memory_space<vmem>>
    %dma_wait3A_1705 = arith.constant 1024 : i32
    %dma_wait3A_1706 = tpu.memref_slice %arg6[%dma_wait3A_1705] : memref<2048xi32, #tpu.memory_space<vmem>> -> memref<512xi32, #tpu.memory_space<vmem>>
    %dma_wait3A_1707 = arith.constant 0 : i32
    %dma_wait3A_1708 = tpu.memref_slice %arg2[%dma_wait3A_1707] : memref<8388608xf32, #tpu.memory_space<hbm>> -> memref<8388608xf32, #tpu.memory_space<hbm>>
    tpu.wait_indirect_dma semaphore(%arg8 : memref<!tpu.dma_semaphore, #tpu.memory_space<semaphore_mem>>) src(%dma_wait3A_1708 : memref<8388608xf32, #tpu.memory_space<hbm>>) dst(%dma_wait3A_1704 : memref<512xf32, #tpu.memory_space<vmem>>)
    %dma_wait3A_1709 = arith.constant 1536 : i32
    %dma_wait3A_1710 = tpu.memref_slice %arg7[%dma_wait3A_1709] : memref<2048xf32, #tpu.memory_space<vmem>> -> memref<512xf32, #tpu.memory_space<vmem>>
    %dma_wait3A_1711 = arith.constant 1536 : i32
    %dma_wait3A_1712 = tpu.memref_slice %arg6[%dma_wait3A_1711] : memref<2048xi32, #tpu.memory_space<vmem>> -> memref<512xi32, #tpu.memory_space<vmem>>
    %dma_wait3A_1713 = arith.constant 0 : i32
    %dma_wait3A_1714 = tpu.memref_slice %arg2[%dma_wait3A_1713] : memref<8388608xf32, #tpu.memory_space<hbm>> -> memref<8388608xf32, #tpu.memory_space<hbm>>
    tpu.wait_indirect_dma semaphore(%arg8 : memref<!tpu.dma_semaphore, #tpu.memory_space<semaphore_mem>>) src(%dma_wait3A_1714 : memref<8388608xf32, #tpu.memory_space<hbm>>) dst(%dma_wait3A_1710 : memref<512xf32, #tpu.memory_space<vmem>>)
    "tpu.region"() ({
      %run_scoped3A = tpu.sem_alloc : memref<!tpu.dma_semaphore, #tpu.memory_space<semaphore_mem>>
      %dma_start3A_1715 = arith.constant 0 : i32
      %dma_start3A_1716 = tpu.memref_slice %arg4[%add3A, %dma_start3A_1715] : memref<32x2048xf32, #tpu.memory_space<hbm>> -> memref<1x2048xf32, #tpu.memory_space<hbm>>
      %dma_start3A_1717 = tpu.memref_squeeze %dma_start3A_1716 : memref<1x2048xf32, #tpu.memory_space<hbm>> -> memref<2048xf32, #tpu.memory_space<hbm>>
      %dma_start3A_1718 = arith.constant 0 : i32
      %dma_start3A_1719 = tpu.memref_slice %arg4[%add3A, %dma_start3A_1718] : memref<32x2048xf32, #tpu.memory_space<hbm>> -> memref<1x2048xf32, #tpu.memory_space<hbm>>
      %dma_start3A_1720 = tpu.memref_squeeze %dma_start3A_1719 : memref<1x2048xf32, #tpu.memory_space<hbm>> -> memref<2048xf32, #tpu.memory_space<hbm>>
      tpu.enqueue_dma source(%arg7 : memref<2048xf32, #tpu.memory_space<vmem>>) target(%dma_start3A_1720 : memref<2048xf32, #tpu.memory_space<hbm>>) target_semaphore(%run_scoped3A : memref<!tpu.dma_semaphore, #tpu.memory_space<semaphore_mem>>)
      %dma_wait3A_1721 = arith.constant 0 : i32
      %dma_wait3A_1722 = tpu.memref_slice %arg4[%add3A, %dma_wait3A_1721] : memref<32x2048xf32, #tpu.memory_space<hbm>> -> memref<1x2048xf32, #tpu.memory_space<hbm>>
      %dma_wait3A_1723 = tpu.memref_squeeze %dma_wait3A_1722 : memref<1x2048xf32, #tpu.memory_space<hbm>> -> memref<2048xf32, #tpu.memory_space<hbm>>
      %dma_wait3A_1724 = arith.constant 0 : i32
      %dma_wait3A_1725 = tpu.memref_slice %arg4[%add3A, %dma_wait3A_1724] : memref<32x2048xf32, #tpu.memory_space<hbm>> -> memref<1x2048xf32, #tpu.memory_space<hbm>>
      %dma_wait3A_1726 = tpu.memref_squeeze %dma_wait3A_1725 : memref<1x2048xf32, #tpu.memory_space<hbm>> -> memref<2048xf32, #tpu.memory_space<hbm>>
      tpu.wait_dma2 semaphore(%run_scoped3A : memref<!tpu.dma_semaphore, #tpu.memory_space<semaphore_mem>>) src(%arg7 : memref<2048xf32, #tpu.memory_space<vmem>>) dst(%dma_wait3A_1726 : memref<2048xf32, #tpu.memory_space<hbm>>)
      tpu.yield
    }) : () -> ()
    return
  }
}

module attributes {stable_mosaic.version = 14 : i64} {
  func.func @_loss_body(%arg0: memref<32x8x256xf32, #tpu.memory_space<vmem>>, %arg1: memref<32x256xi32, #tpu.memory_space<vmem>>, %arg2: memref<2x32x256xi32, #tpu.memory_space<vmem>>, %arg3: memref<2x32x256xf32, #tpu.memory_space<vmem>>, %arg4: memref<1x1xf32, #tpu.memory_space<smem>>) attributes {dimension_semantics = [], scalar_prefetch = 0 : i64, scratch_operands = 0 : i64, tpu.core_type = #tpu.core_type<tc>} {
    %get3A = arith.constant 0 : index
    %get3A_0 = arith.constant 0 : index
    %get3A_1 = arith.constant 0 : index
    %get3A_2 = vector.load %arg0[%get3A, %get3A_0, %get3A_1] : memref<32x8x256xf32, #tpu.memory_space<vmem>>, vector<32x1x256xf32>
    %get3A_3 = vector.shape_cast %get3A_2 : vector<32x1x256xf32> to vector<32x256xf32>
    %get3A_4 = arith.constant 0 : index
    %get3A_5 = arith.constant 1 : index
    %get3A_6 = arith.constant 0 : index
    %get3A_7 = vector.load %arg0[%get3A_4, %get3A_5, %get3A_6] : memref<32x8x256xf32, #tpu.memory_space<vmem>>, vector<32x1x256xf32>
    %get3A_8 = vector.shape_cast %get3A_7 : vector<32x1x256xf32> to vector<32x256xf32>
    %get3A_9 = arith.constant 0 : index
    %get3A_10 = arith.constant 2 : index
    %get3A_11 = arith.constant 0 : index
    %get3A_12 = vector.load %arg0[%get3A_9, %get3A_10, %get3A_11] : memref<32x8x256xf32, #tpu.memory_space<vmem>>, vector<32x1x256xf32>
    %get3A_13 = vector.shape_cast %get3A_12 : vector<32x1x256xf32> to vector<32x256xf32>
    %get3A_14 = arith.constant 0 : index
    %get3A_15 = arith.constant 3 : index
    %get3A_16 = arith.constant 0 : index
    %get3A_17 = vector.load %arg0[%get3A_14, %get3A_15, %get3A_16] : memref<32x8x256xf32, #tpu.memory_space<vmem>>, vector<32x1x256xf32>
    %get3A_18 = vector.shape_cast %get3A_17 : vector<32x1x256xf32> to vector<32x256xf32>
    %get3A_19 = arith.constant 0 : index
    %get3A_20 = arith.constant 4 : index
    %get3A_21 = arith.constant 0 : index
    %get3A_22 = vector.load %arg0[%get3A_19, %get3A_20, %get3A_21] : memref<32x8x256xf32, #tpu.memory_space<vmem>>, vector<32x1x256xf32>
    %get3A_23 = vector.shape_cast %get3A_22 : vector<32x1x256xf32> to vector<32x256xf32>
    %get3A_24 = arith.constant 0 : index
    %get3A_25 = arith.constant 5 : index
    %get3A_26 = arith.constant 0 : index
    %get3A_27 = vector.load %arg0[%get3A_24, %get3A_25, %get3A_26] : memref<32x8x256xf32, #tpu.memory_space<vmem>>, vector<32x1x256xf32>
    %get3A_28 = vector.shape_cast %get3A_27 : vector<32x1x256xf32> to vector<32x256xf32>
    %get3A_29 = arith.constant 0 : index
    %get3A_30 = arith.constant 6 : index
    %get3A_31 = arith.constant 0 : index
    %get3A_32 = vector.load %arg0[%get3A_29, %get3A_30, %get3A_31] : memref<32x8x256xf32, #tpu.memory_space<vmem>>, vector<32x1x256xf32>
    %get3A_33 = vector.shape_cast %get3A_32 : vector<32x1x256xf32> to vector<32x256xf32>
    %get3A_34 = arith.constant 0 : index
    %get3A_35 = arith.constant 7 : index
    %get3A_36 = arith.constant 0 : index
    %get3A_37 = vector.load %arg0[%get3A_34, %get3A_35, %get3A_36] : memref<32x8x256xf32, #tpu.memory_space<vmem>>, vector<32x1x256xf32>
    %get3A_38 = vector.shape_cast %get3A_37 : vector<32x1x256xf32> to vector<32x256xf32>
    %get3A_39 = arith.constant 0 : index
    %get3A_40 = arith.constant 0 : index
    %get3A_41 = vector.load %arg1[%get3A_39, %get3A_40] : memref<32x256xi32, #tpu.memory_space<vmem>>, vector<32x256xi32>
    %convert_element_type3A = arith.sitofp %get3A_41 : vector<32x256xi32> to vector<32x256xf32>
    %get3A_42 = arith.constant 0 : index
    %get3A_43 = arith.constant 0 : index
    %get3A_44 = arith.constant 0 : index
    %get3A_45 = vector.load %arg2[%get3A_42, %get3A_43, %get3A_44] : memref<2x32x256xi32, #tpu.memory_space<vmem>>, vector<1x32x256xi32>
    %get3A_46 = vector.shape_cast %get3A_45 : vector<1x32x256xi32> to vector<32x256xi32>
    %get3A_47 = arith.constant 1 : index
    %get3A_48 = arith.constant 0 : index
    %get3A_49 = arith.constant 0 : index
    %get3A_50 = vector.load %arg2[%get3A_47, %get3A_48, %get3A_49] : memref<2x32x256xi32, #tpu.memory_space<vmem>>, vector<1x32x256xi32>
    %get3A_51 = vector.shape_cast %get3A_50 : vector<1x32x256xi32> to vector<32x256xi32>
    %get3A_52 = arith.constant 0 : index
    %get3A_53 = arith.constant 0 : index
    %get3A_54 = arith.constant 0 : index
    %get3A_55 = vector.load %arg3[%get3A_52, %get3A_53, %get3A_54] : memref<2x32x256xf32, #tpu.memory_space<vmem>>, vector<1x32x256xf32>
    %get3A_56 = vector.shape_cast %get3A_55 : vector<1x32x256xf32> to vector<32x256xf32>
    %get3A_57 = arith.constant 1 : index
    %get3A_58 = arith.constant 0 : index
    %get3A_59 = arith.constant 0 : index
    %get3A_60 = vector.load %arg3[%get3A_57, %get3A_58, %get3A_59] : memref<2x32x256xf32, #tpu.memory_space<vmem>>, vector<1x32x256xf32>
    %get3A_61 = vector.shape_cast %get3A_60 : vector<1x32x256xf32> to vector<32x256xf32>
    %reduce_sum3A = vector.shape_cast %convert_element_type3A : vector<32x256xf32> to vector<1x32x256xf32>
    %reduce_sum3A_62 = arith.constant dense<0.000000e+00> : vector<1xf32>
    %reduce_sum3A_63 = vector.multi_reduction <add>, %reduce_sum3A, %reduce_sum3A_62 [1, 2] : vector<1x32x256xf32> to vector<1xf32>
    %reduce_sum3A_64 = vector.shape_cast %reduce_sum3A_63 : vector<1xf32> to vector<1x1x1xf32>
    %reduce_sum3A_65 = vector.extract %reduce_sum3A_64[0, 0, 0] : f32 from vector<1x1x1xf32>
    %max3A = arith.maximumf %get3A_3, %get3A_8 : vector<32x256xf32>
    %sub3A = arith.subf %get3A_3, %max3A : vector<32x256xf32>
    %exp3A = math.exp %sub3A : vector<32x256xf32>
    %sub3A_66 = arith.subf %get3A_8, %max3A : vector<32x256xf32>
    %exp3A_67 = math.exp %sub3A_66 : vector<32x256xf32>
    %add3A = arith.addf %exp3A, %exp3A_67 : vector<32x256xf32>
    %log3A = math.log %add3A : vector<32x256xf32>
    %add3A_68 = arith.addf %max3A, %log3A : vector<32x256xf32>
    %eq3A = arith.constant 1 : i32
    %eq3A_69 = vector.broadcast %eq3A : i32 to vector<32x256xi32>
    %eq3A_70 = arith.cmpi eq, %get3A_46, %eq3A_69 : vector<32x256xi32>
    %select_n3A = arith.select %eq3A_70, %get3A_8, %get3A_3 : vector<32x256xi1>, vector<32x256xf32>
    %sub3A_71 = arith.subf %select_n3A, %add3A_68 : vector<32x256xf32>
    %mul3A = arith.mulf %sub3A_71, %convert_element_type3A : vector<32x256xf32>
    %reduce_sum3A_72 = vector.shape_cast %mul3A : vector<32x256xf32> to vector<1x32x256xf32>
    %reduce_sum3A_73 = arith.constant dense<0.000000e+00> : vector<1xf32>
    %reduce_sum3A_74 = vector.multi_reduction <add>, %reduce_sum3A_72, %reduce_sum3A_73 [1, 2] : vector<1x32x256xf32> to vector<1xf32>
    %reduce_sum3A_75 = vector.shape_cast %reduce_sum3A_74 : vector<1xf32> to vector<1x1x1xf32>
    %reduce_sum3A_76 = vector.extract %reduce_sum3A_75[0, 0, 0] : f32 from vector<1x1x1xf32>
    %max3A_77 = arith.maximumf %get3A_23, %get3A_28 : vector<32x256xf32>
    %sub3A_78 = arith.subf %get3A_23, %max3A_77 : vector<32x256xf32>
    %exp3A_79 = math.exp %sub3A_78 : vector<32x256xf32>
    %sub3A_80 = arith.subf %get3A_28, %max3A_77 : vector<32x256xf32>
    %exp3A_81 = math.exp %sub3A_80 : vector<32x256xf32>
    %add3A_82 = arith.addf %exp3A_79, %exp3A_81 : vector<32x256xf32>
    %log3A_83 = math.log %add3A_82 : vector<32x256xf32>
    %add3A_84 = arith.addf %max3A_77, %log3A_83 : vector<32x256xf32>
    %eq3A_85 = arith.constant 1 : i32
    %eq3A_86 = vector.broadcast %eq3A_85 : i32 to vector<32x256xi32>
    %eq3A_87 = arith.cmpi eq, %get3A_51, %eq3A_86 : vector<32x256xi32>
    %select_n3A_88 = arith.select %eq3A_87, %get3A_28, %get3A_23 : vector<32x256xi1>, vector<32x256xf32>
    %sub3A_89 = arith.subf %select_n3A_88, %add3A_84 : vector<32x256xf32>
    %mul3A_90 = arith.mulf %sub3A_89, %convert_element_type3A : vector<32x256xf32>
    %reduce_sum3A_91 = vector.shape_cast %mul3A_90 : vector<32x256xf32> to vector<1x32x256xf32>
    %reduce_sum3A_92 = arith.constant dense<0.000000e+00> : vector<1xf32>
    %reduce_sum3A_93 = vector.multi_reduction <add>, %reduce_sum3A_91, %reduce_sum3A_92 [1, 2] : vector<1x32x256xf32> to vector<1xf32>
    %reduce_sum3A_94 = vector.shape_cast %reduce_sum3A_93 : vector<1xf32> to vector<1x1x1xf32>
    %reduce_sum3A_95 = vector.extract %reduce_sum3A_94[0, 0, 0] : f32 from vector<1x1x1xf32>
    %convert_element_type3A_96 = arith.sitofp %get3A_46 : vector<32x256xi32> to vector<32x256xf32>
    %convert_element_type3A_97 = arith.sitofp %get3A_51 : vector<32x256xi32> to vector<32x256xf32>
    %reduce_sum3A_98 = vector.shape_cast %convert_element_type3A_96 : vector<32x256xf32> to vector<1x32x256xf32>
    %reduce_sum3A_99 = arith.constant dense<0.000000e+00> : vector<1xf32>
    %reduce_sum3A_100 = vector.multi_reduction <add>, %reduce_sum3A_98, %reduce_sum3A_99 [1, 2] : vector<1x32x256xf32> to vector<1xf32>
    %reduce_sum3A_101 = vector.shape_cast %reduce_sum3A_100 : vector<1xf32> to vector<1x1x1xf32>
    %reduce_sum3A_102 = vector.extract %reduce_sum3A_101[0, 0, 0] : f32 from vector<1x1x1xf32>
    %reduce_sum3A_103 = vector.shape_cast %convert_element_type3A_97 : vector<32x256xf32> to vector<1x32x256xf32>
    %reduce_sum3A_104 = arith.constant dense<0.000000e+00> : vector<1xf32>
    %reduce_sum3A_105 = vector.multi_reduction <add>, %reduce_sum3A_103, %reduce_sum3A_104 [1, 2] : vector<1x32x256xf32> to vector<1xf32>
    %reduce_sum3A_106 = vector.shape_cast %reduce_sum3A_105 : vector<1xf32> to vector<1x1x1xf32>
    %reduce_sum3A_107 = vector.extract %reduce_sum3A_106[0, 0, 0] : f32 from vector<1x1x1xf32>
    %sin3A = math.sin %get3A_56 : vector<32x256xf32>
    %sub3A_108 = arith.subf %get3A_13, %sin3A : vector<32x256xf32>
    %abs3A = math.absf %sub3A_108 : vector<32x256xf32>
    %lt3A = arith.constant 1.000000e+00 : f32
    %lt3A_109 = vector.broadcast %lt3A : f32 to vector<32x256xf32>
    %lt3A_110 = arith.cmpf olt, %abs3A, %lt3A_109 : vector<32x256xf32>
    %mul3A_111 = arith.constant 5.000000e-01 : f32
    %mul3A_112 = vector.broadcast %mul3A_111 : f32 to vector<32x256xf32>
    %mul3A_113 = arith.mulf %mul3A_112, %abs3A : vector<32x256xf32>
    %mul3A_114 = arith.mulf %mul3A_113, %abs3A : vector<32x256xf32>
    %sub3A_115 = arith.constant 5.000000e-01 : f32
    %sub3A_116 = vector.broadcast %sub3A_115 : f32 to vector<32x256xf32>
    %sub3A_117 = arith.subf %abs3A, %sub3A_116 : vector<32x256xf32>
    %select_n3A_118 = arith.select %lt3A_110, %mul3A_114, %sub3A_117 : vector<32x256xi1>, vector<32x256xf32>
    %cos3A = math.cos %get3A_56 : vector<32x256xf32>
    %sub3A_119 = arith.subf %get3A_18, %cos3A : vector<32x256xf32>
    %abs3A_120 = math.absf %sub3A_119 : vector<32x256xf32>
    %lt3A_121 = arith.constant 1.000000e+00 : f32
    %lt3A_122 = vector.broadcast %lt3A_121 : f32 to vector<32x256xf32>
    %lt3A_123 = arith.cmpf olt, %abs3A_120, %lt3A_122 : vector<32x256xf32>
    %mul3A_124 = arith.constant 5.000000e-01 : f32
    %mul3A_125 = vector.broadcast %mul3A_124 : f32 to vector<32x256xf32>
    %mul3A_126 = arith.mulf %mul3A_125, %abs3A_120 : vector<32x256xf32>
    %mul3A_127 = arith.mulf %mul3A_126, %abs3A_120 : vector<32x256xf32>
    %sub3A_128 = arith.constant 5.000000e-01 : f32
    %sub3A_129 = vector.broadcast %sub3A_128 : f32 to vector<32x256xf32>
    %sub3A_130 = arith.subf %abs3A_120, %sub3A_129 : vector<32x256xf32>
    %select_n3A_131 = arith.select %lt3A_123, %mul3A_127, %sub3A_130 : vector<32x256xi1>, vector<32x256xf32>
    %add3A_132 = arith.addf %select_n3A_118, %select_n3A_131 : vector<32x256xf32>
    %mul3A_133 = arith.mulf %add3A_132, %convert_element_type3A_96 : vector<32x256xf32>
    %reduce_sum3A_134 = vector.shape_cast %mul3A_133 : vector<32x256xf32> to vector<1x32x256xf32>
    %reduce_sum3A_135 = arith.constant dense<0.000000e+00> : vector<1xf32>
    %reduce_sum3A_136 = vector.multi_reduction <add>, %reduce_sum3A_134, %reduce_sum3A_135 [1, 2] : vector<1x32x256xf32> to vector<1xf32>
    %reduce_sum3A_137 = vector.shape_cast %reduce_sum3A_136 : vector<1xf32> to vector<1x1x1xf32>
    %reduce_sum3A_138 = vector.extract %reduce_sum3A_137[0, 0, 0] : f32 from vector<1x1x1xf32>
    %sin3A_139 = math.sin %get3A_61 : vector<32x256xf32>
    %sub3A_140 = arith.subf %get3A_33, %sin3A_139 : vector<32x256xf32>
    %abs3A_141 = math.absf %sub3A_140 : vector<32x256xf32>
    %lt3A_142 = arith.constant 1.000000e+00 : f32
    %lt3A_143 = vector.broadcast %lt3A_142 : f32 to vector<32x256xf32>
    %lt3A_144 = arith.cmpf olt, %abs3A_141, %lt3A_143 : vector<32x256xf32>
    %mul3A_145 = arith.constant 5.000000e-01 : f32
    %mul3A_146 = vector.broadcast %mul3A_145 : f32 to vector<32x256xf32>
    %mul3A_147 = arith.mulf %mul3A_146, %abs3A_141 : vector<32x256xf32>
    %mul3A_148 = arith.mulf %mul3A_147, %abs3A_141 : vector<32x256xf32>
    %sub3A_149 = arith.constant 5.000000e-01 : f32
    %sub3A_150 = vector.broadcast %sub3A_149 : f32 to vector<32x256xf32>
    %sub3A_151 = arith.subf %abs3A_141, %sub3A_150 : vector<32x256xf32>
    %select_n3A_152 = arith.select %lt3A_144, %mul3A_148, %sub3A_151 : vector<32x256xi1>, vector<32x256xf32>
    %cos3A_153 = math.cos %get3A_61 : vector<32x256xf32>
    %sub3A_154 = arith.subf %get3A_38, %cos3A_153 : vector<32x256xf32>
    %abs3A_155 = math.absf %sub3A_154 : vector<32x256xf32>
    %lt3A_156 = arith.constant 1.000000e+00 : f32
    %lt3A_157 = vector.broadcast %lt3A_156 : f32 to vector<32x256xf32>
    %lt3A_158 = arith.cmpf olt, %abs3A_155, %lt3A_157 : vector<32x256xf32>
    %mul3A_159 = arith.constant 5.000000e-01 : f32
    %mul3A_160 = vector.broadcast %mul3A_159 : f32 to vector<32x256xf32>
    %mul3A_161 = arith.mulf %mul3A_160, %abs3A_155 : vector<32x256xf32>
    %mul3A_162 = arith.mulf %mul3A_161, %abs3A_155 : vector<32x256xf32>
    %sub3A_163 = arith.constant 5.000000e-01 : f32
    %sub3A_164 = vector.broadcast %sub3A_163 : f32 to vector<32x256xf32>
    %sub3A_165 = arith.subf %abs3A_155, %sub3A_164 : vector<32x256xf32>
    %select_n3A_166 = arith.select %lt3A_158, %mul3A_162, %sub3A_165 : vector<32x256xi1>, vector<32x256xf32>
    %add3A_167 = arith.addf %select_n3A_152, %select_n3A_166 : vector<32x256xf32>
    %mul3A_168 = arith.mulf %add3A_167, %convert_element_type3A_97 : vector<32x256xf32>
    %reduce_sum3A_169 = vector.shape_cast %mul3A_168 : vector<32x256xf32> to vector<1x32x256xf32>
    %reduce_sum3A_170 = arith.constant dense<0.000000e+00> : vector<1xf32>
    %reduce_sum3A_171 = vector.multi_reduction <add>, %reduce_sum3A_169, %reduce_sum3A_170 [1, 2] : vector<1x32x256xf32> to vector<1xf32>
    %reduce_sum3A_172 = vector.shape_cast %reduce_sum3A_171 : vector<1xf32> to vector<1x1x1xf32>
    %reduce_sum3A_173 = vector.extract %reduce_sum3A_172[0, 0, 0] : f32 from vector<1x1x1xf32>
    %gt3A = arith.constant 0.000000e+00 : f32
    %gt3A_174 = arith.cmpf ogt, %reduce_sum3A_65, %gt3A : f32
    %neg3A = arith.constant 0.000000e+00 : f32
    %neg3A_175 = arith.subf %neg3A, %reduce_sum3A_76 : f32
    %div3A = arith.divf %neg3A_175, %reduce_sum3A_65 : f32
    %jit3A = arith.constant 0.000000e+00 : f32
    %select_n3A_176 = arith.select %gt3A_174, %div3A, %jit3A : f32
    %gt3A_177 = arith.constant 0.000000e+00 : f32
    %gt3A_178 = arith.cmpf ogt, %reduce_sum3A_65, %gt3A_177 : f32
    %neg3A_179 = arith.constant 0.000000e+00 : f32
    %neg3A_180 = arith.subf %neg3A_179, %reduce_sum3A_95 : f32
    %div3A_181 = arith.divf %neg3A_180, %reduce_sum3A_65 : f32
    %jit3A_182 = arith.constant 0.000000e+00 : f32
    %select_n3A_183 = arith.select %gt3A_178, %div3A_181, %jit3A_182 : f32
    %gt3A_184 = arith.constant 0.000000e+00 : f32
    %gt3A_185 = arith.cmpf ogt, %reduce_sum3A_102, %gt3A_184 : f32
    %div3A_186 = arith.divf %reduce_sum3A_138, %reduce_sum3A_102 : f32
    %jit3A_187 = arith.constant 0.000000e+00 : f32
    %select_n3A_188 = arith.select %gt3A_185, %div3A_186, %jit3A_187 : f32
    %gt3A_189 = arith.constant 0.000000e+00 : f32
    %gt3A_190 = arith.cmpf ogt, %reduce_sum3A_107, %gt3A_189 : f32
    %div3A_191 = arith.divf %reduce_sum3A_173, %reduce_sum3A_107 : f32
    %jit3A_192 = arith.constant 0.000000e+00 : f32
    %select_n3A_193 = arith.select %gt3A_190, %div3A_191, %jit3A_192 : f32
    %add3A_194 = arith.addf %select_n3A_188, %select_n3A_193 : f32
    %add3A_195 = arith.addf %select_n3A_176, %select_n3A_183 : f32
    %add3A_196 = arith.addf %add3A_195, %add3A_194 : f32
    %eq3A_197 = arith.constant 0.000000e+00 : f32
    %eq3A_198 = arith.cmpf oeq, %reduce_sum3A_65, %eq3A_197 : f32
    %jit3A_199 = arith.constant 0.000000e+00 : f32
    %select_n3A_200 = arith.select %eq3A_198, %jit3A_199, %add3A_196 : f32
    %swap3A = arith.constant 0 : index
    %swap3A_201 = arith.constant 0 : index
    %swap3A_202 = memref.load %arg4[%swap3A, %swap3A_201] : memref<1x1xf32, #tpu.memory_space<smem>>
    memref.store %select_n3A_200, %arg4[%swap3A, %swap3A_201] : memref<1x1xf32, #tpu.memory_space<smem>>
    return
  }
}

</mosaic_0001>

<sc_bundles>
// kernel: kernel.4.cloned.1.call-start
scs
__scs_entry_jumppad:
0x0: {  	(pc) =	sbr.rel $0x88, $3  }
0x1: {  	(tag) =	ssettag $0x0;
	lr =	simm.s32 $0x1  }
0x2: {  	[smem:$0x3F9C] =	sst lr;
	_ =	strace $0xD0000000  }
0x3: {  	_ = 	snop  }
0x4: {  	_ = 	snop  }
0x5: {  	_ = 	snop  }
0x6: {  	_ = 	snop  }
0x7: {  	_ = 	snop  }
__scs_overlays_trampoline_lowered:
0x8: {  	[smem:$0x3FAB] =	sst s0  }
0x9: {  	[smem:$0x3FAC] =	sst s1  }
0xa: {  	[smem:$0x3FAD] =	sst s2  }
0xb: {  	[smem:$0x3FAE] =	sst s3  }
0xc: {  	[smem:$0x3FAF] =	sst s4  }
0xd: {  	[smem:$0x3FB0] =	sst s5  }
0xe: {  	[smem:$0x3FB1] =	sst s6  }
0xf: {  	[smem:$0x3FB2] =	sst s7  }
0x10: {  	[smem:$0x3FB3] =	sst s8  }
0x11: {  	[smem:$0x3FB4] =	sst s9;
	s0 =	simm.s32 @!p0 $0x0  }
0x12: {  	s1 =	sld [smem:$0x3F9A];
	s0 =	simm.s32 @p0 $0x1  }
0x13: {  	[smem:$0x3FB5] =	sst s0;
	s0 =	simm.s32 @!p1 $0x0  }
0x14: {  	s2 =	sld [smem:$0x3F99];
	s0 =	simm.s32 @p1 $0x1  }
0x15: {  	[smem:$0x3FB6] =	sst s0;
	s0 =	simm.s32 @!p2 $0x0  }
0x16: {  	s3 =	sld [smem:$0x3FDB];
	s0 =	simm.s32 @p2 $0x1  }
0x17: {  	s4 =	simm.s32 $0x1BF5;
	[smem:$0x3FB8] =	sst s0  }
0x18: {  	s0 =	sld [smem:$0x3F9B];
	_ =	swait.ge [sflag:s4], $0x0  }
0x19: {  	s7 =	sld [smem:$0x3F9C]  }
0x1a: {  	s8 =	sadd.s32 $0xFFFFE003, lr  }
0x1b: {  	s9 =	sadd.s32 $0xFFFFFEF7, lr;
	s5 =	simm.s32 $0xFFFFFFFF;
	p2 =	slt.u32 s8, $0xFFFFF086  }
0x1c: {  	p1 =	slt.u32 s9, $0xF7A;
	s5 =	simm.s32 @!p2 $0x0  }
0x1d: {  	s5 =	simm.s32 @p1 $0x1;
	p0 =	seq.s32 s7, s2  }
0x1e: {  	s7 =	smul.u32 @!p0 $0xF7A, s2;
	p2 =	seq.s32 @!p0 s5, $0x0  }
0x1f: {  	s9 =	smul.u32 $0xF7A, s1;
	s8 =	simm.s32 @!p0 $0x1BF5;
	p2 =	por !p2, p0  }
0x20: {  	[sflag:s8] =	ssyncset.s32 @!p0 $0xFFFFF086;
	s6 =	sadd.s32 @!p0 s3, s7;
	s7 =	simm.s32 @!p0 $0x108  }
0x21: {  	s3 =	sadd.s32 s3, s9;
	s6 =	sadd.s32 @!p0 $0x88, s6;
	s7 =	simm.s32 @p2 $0x1082  }
0x22: {  	[simem:s7], [sflag:s8] =	dma.local @!p0 [hbm:s6], $0xF7A  }
0x23: {  	s9 =	sor.u32 $0xD0000000, s2;
	s6 =	simm.s32 $0x108;
	_ =	swait.ge @!p0 [sflag:s8], $0x0  }
0x24: {  	s3 =	sadd.s32 $0x88, s3;
	s6 =	simm.s32 @!p1 $0x1082;
	[sflag:s4] =	ssyncset.s32 $0xFFFFF086  }
0x25: {  	[simem:s6], [sflag:s4] =	dma.local [hbm:s3], $0xF7A  }
0x26: {  	[smem:$0x3F9C] =	sst s1;
	(tag) =	ssettag s2;
	_ =	strace s9  }
0x27: {  	s1 =	sld [smem:$0x3FAC]  }
0x28: {  	s2 =	sld [smem:$0x3FAD]  }
0x29: {  	s4 =	sld [smem:$0x3FAF]  }
0x2a: {  	p0 =	seq.s32 s5, $0x0;
	s5 =	sld [smem:$0x3FB0]  }
0x2b: {  	s6 =	sld [smem:$0x3FB1]  }
0x2c: {  	s7 =	sld [smem:$0x3FB2]  }
0x2d: {  	s3 =	simm.s32 $0x108;
	s8 =	sld [smem:$0x3FB3]  }
0x2e: {  	s3 =	simm.s32 @!p0 $0x1082;
	s9 =	sld [smem:$0x3FB4]  }
0x2f: {  	lr =	sadd.s32 s0, s3;
	s0 =	sld [smem:$0x3FAB]  }
0x30: {  	s3 =	sld [smem:$0x3FAE]  }
0x31: {  	[smem:$0x3FB7] =	sst s10  }
0x32: {  	s10 =	sld [smem:$0x3FB5];
	_ =	sdelay $0x3  }
0x33: {  	p0 =	seq.s32 s10, $0x1;
	s10 =	sld [smem:$0x3FB7];
	_ =	sdelay $0x3  }
0x34: {  	[smem:$0x3FB7] =	sst s10  }
0x35: {  	s10 =	sld [smem:$0x3FB6];
	_ =	sdelay $0x3  }
0x36: {  	p1 =	seq.s32 s10, $0x1;
	s10 =	sld [smem:$0x3FB7];
	_ =	sdelay $0x3  }
0x37: {  	[smem:$0x3FB7] =	sst s10  }
0x38: {  	s10 =	sld [smem:$0x3FB8]  }
0x39: {  	_ = 	snop;
	(pc) =	sbr.ind lr, $3  }
0x3a: {  	_ = 	snop  }
0x3b: {  	_ = 	snop  }
0x3c: {  	p2 =	seq.s32 s10, $0x1;
	s10 =	sld [smem:$0x3FB7]  }
0x3d: {  	_ =	shalt  }
0x3e: {  	_ =	shalt  }
0x3f: {  	_ =	shalt  }
0x40: {  	_ =	shalt  }
0x41: {  	_ =	shalt  }
0x42: {  	_ =	shalt  }
0x43: {  	_ =	shalt  }
0x44: {  	_ =	shalt  }
0x45: {  	_ =	shalt  }
0x46: {  	_ =	shalt  }
0x47: {  	_ =	shalt  }
0x48: {  	_ =	shalt  }
0x49: {  	_ =	shalt  }
0x4a: {  	_ =	shalt  }
0x4b: {  	_ =	shalt  }
0x4c: {  	_ =	shalt  }
0x4d: {  	_ =	shalt  }
0x4e: {  	_ =	shalt  }
0x4f: {  	_ =	shalt  }
0x50: {  	_ =	shalt  }
0x51: {  	_ =	shalt  }
0x52: {  	_ =	shalt  }
0x53: {  	_ =	shalt  }
0x54: {  	_ =	shalt  }
0x55: {  	_ =	shalt  }
0x56: {  	_ =	shalt  }
0x57: {  	_ =	shalt  }
0x58: {  	_ =	shalt  }
0x59: {  	_ =	shalt  }
0x5a: {  	_ =	shalt  }
0x5b: {  	_ =	shalt  }
0x5c: {  	_ =	shalt  }
0x5d: {  	_ =	shalt  }
0x5e: {  	_ =	shalt  }
0x5f: {  	_ =	shalt  }
0x60: {  	_ =	shalt  }
0x61: {  	_ =	shalt  }
0x62: {  	_ =	shalt  }
0x63: {  	_ =	shalt  }
0x64: {  	_ =	shalt  }
0x65: {  	_ =	shalt  }
0x66: {  	_ =	shalt  }
0x67: {  	_ =	shalt  }
0x68: {  	_ =	shalt  }
0x69: {  	_ =	shalt  }
0x6a: {  	_ =	shalt  }
0x6b: {  	_ =	shalt  }
0x6c: {  	_ =	shalt  }
0x6d: {  	_ =	shalt  }
0x6e: {  	_ =	shalt  }
0x6f: {  	_ =	shalt  }
0x70: {  	_ =	shalt  }
0x71: {  	_ =	shalt  }
0x72: {  	_ =	shalt  }
0x73: {  	_ =	shalt  }
0x74: {  	_ =	shalt  }
0x75: {  	_ =	shalt  }
0x76: {  	_ =	shalt  }
0x77: {  	_ =	shalt  }
0x78: {  	_ =	shalt  }
0x79: {  	_ =	shalt  }
0x7a: {  	_ =	shalt  }
0x7b: {  	_ =	shalt  }
0x7c: {  	_ =	shalt  }
0x7d: {  	_ =	shalt  }
0x7e: {  	_ =	shalt  }
0x7f: {  	_ =	shalt  }
0x80: {  	_ =	shalt  }
0x81: {  	_ =	shalt  }
0x82: {  	_ =	shalt  }
0x83: {  	_ =	shalt  }
0x84: {  	_ =	shalt  }
0x85: {  	_ =	shalt  }
0x86: {  	_ =	shalt  }
0x87: {  	_ =	shalt  }
.Lfunc_end0:
.L_simem_size_0:
called_computation_lowered:
.L_overlay_start_0:
0x88: {  	s2 =	sld [smem:$0x3FD9]  }
0x89: {  	s3 =	sld [smem:$0x3FFE];
	_ =	sdelay $0x1  }
0x8a: {  	s1 =	srdreg.scid  }
0x8b: {  	s0 =	sand.u32 $0x1, s1  }
0x8c: {  	s17 =	sshll.u32 s0, $0xA;
	s2 =	sadd.s32 s3, s2  }
0x8d: {  	s2 =	sadd.s32 s2, s17  }
0x8e: {  	[smem:$0x3FC3] =	sst s2  }
0x8f: {  	_ = 	snop  }
0x90: {  	s2 =	sld [smem:$0x3FC9]  }
0x91: {  	s18 =	sld [smem:$0x3FC7];
	(tm) =	ssettm $0x1  }
0x92: {  	s4 =	sld [smem:$0x3FFB];
	_ =	sdelay $0x3  }
0x93: {  	_ =	strace s4  }
0x94: {  	s4 =	sld [smem:$0x3FFC];
	_ =	sdelay $0x3  }
0x95: {  	_ =	strace s4  }
0x96: {  	s4 =	sld [smem:$0x3FFD];
	_ =	sdelay $0x3  }
0x97: {  	_ =	strace s4  }
0x98: {  	_ =	strace $0x8FFFFFFF  }
0x99: {  	s19 =	sld [smem:$0x3FDB];
	_ =	sdelay $0x1  }
0x9a: {  	s5 =	simm.s32 $_scs_section_size  }
0x9b: {  	s6 =	simm.s32 $_size__tile_overlayer_lowered;
	s7 =	simm.s32 $_tile_overlayer_lowered  }
0x9c: {  	s22 =	simm.s32 $0x1BFF;
	s21 =	sshll.u32 s7, $0x1;
	s4 =	sadd.s32 s5, s19  }
0x9d: {  	s8 =	simm.s32 $0x0;
	s20 =	sshll.u32 s6, $0x1;
	s6 =	sadd.s32 s21, s4  }
0x9e: {  	[timem:s8], [sflag:s22] =	dma.local [hbm:s6], s20  }
0x9f: {  	_ =	swait.ge [sflag:s22], s20  }
0xa0: {  	s5 =	ssub.s32 $0x0, s20;
	[sflag:s22] =	ssyncset.done $0x0  }
0xa1: {  	[sflag:s22] =	ssyncadd.s32 s5;
	_ =	sdelay $0x1  }
0xa2: {  	s23 =	simm.s32 $0x1B8B  }
0xa3: {  	_ =	swait.ge [sflag:s23], $0x1  }
0xa4: {  	[sflag:s23] =	ssyncset.done $0x0  }
0xa5: {  	s25 =	simm.s32 $0x1B8E;
	s24 =	sld [smem:$0x3FFE];
	[sflag:s23] =	ssyncadd.s32 $0xFFFFFFFF  }
0xa6: {  	s26 =	simm.s32 $execute0_lowered;
	[smem:$0x3FD2] =	sst s25  }
0xa7: {  	s6 =	sshll.u32 s26, $0x1;
	_ =	strace $0x80000046;
	[dreg:$0x1] =	wrdreg $0xFFFFFFFF  }
0xa8: {  	s28 =	simm.s32 $_size_execute0_lowered;
	s4 =	sadd.s32 s4, s6;
	[dreg:$0x0] =	wrdreg $0x0  }
0xa9: {  	s6 =	sshll.u32 s28, $0x1;
	[dreg:$0x2] =	wrdreg s4  }
0xaa: {  	[dreg:$0x3] =	wrdreg s6  }
0xab: {  	[dreg:$0x4] =	wrdreg $0xC0  }
0xac: {  	_ =	task [dreg:s8], $0x5FFFF  }
0xad: {  	[dreg:$0x1] =	wrdreg $0xFFFFFFFF  }
0xae: {  	[dreg:$0x0] =	wrdreg $0x60  }
0xaf: {  	[dreg:$0x2] =	wrdreg s2  }
0xb0: {  	[dreg:$0x3] =	wrdreg s18  }
0xb1: {  	[dreg:$0x4] =	wrdreg s24  }
0xb2: {  	[dreg:$0x5] =	wrdreg $0x9  }
0xb3: {  	_ =	task.clear_ibuf [dreg:s8], $0x6FFFF;
	_ =	strace $0x90000046  }
0xb4: {  	s29 =	simm.s32 $0x9;
	_ =	strace $0x80000048  }
0xb5: {  	_ =	swait.ge [sflag:s29], $0x1  }
0xb6: {  	[sflag:s29] =	ssyncadd.s32 $0xFFFFFFFF  }
0xb7: {  	_ =	strace $0x90000048  }
0xb8: {  	_ =	sfence  }
0xb9: {  	s30 =	sld [smem:$0x0];
	_ =	sdelay $0x2  }
0xba: {  	s31 =	sshll.u32 s1, $0xD;
	s1 =	sshrl.u32 s1, $0x2  }
0xbb: {  	s3 =	sand.u32 $0x4000, s31;
	s1 =	sadd.s32 s1, s30  }
0xbc: {  	s0 =	sor.u32 s3, s0;
	s1 =	sshll.u32 s1, $0x11  }
0xbd: {  	s0 =	sor.u32 s1, s0  }
0xbe: {  	s0 =	sadd.s32 $0x8F2B, s0  }
0xbf: {  	[sflag:s0] =	ssyncadd.remote.s32 $0x1  }
0xc0: {  	_ =	sfence.sel $0xFFFF  }
0xc1: {  	[dreg:$0x0] =	wrdreg $0xFFFFFFFF;
	(pc) =	sbr.abs _section_cstart, $3  }
0xc2: {  	[dreg:$0x1] =	wrdreg $0xFFFFFFFF  }
0xc3: {  	_ =	task.clear_ibuf [dreg:s8], $0x2FFFF;
	_ =	strace $0x9FFFFFFF  }
0xc4: {  	(tm) =	ssettm $0x7FFFFFFF  }
0xc5: {  	_ =	shalt  }
tec
execute0_lowered:
.L_overlay_start_1:
0x0: {  	(tag) =	ssettag $0x1  }
0x1: {  	s1 =	rddreg [dreg:$0x0]  }
0x2: {  	s4 =	rddreg [dreg:$0x1]  }
0x3: {  	s5 =	rddreg [dreg:$0x2]  }
0x4: {  	s0 =	rddreg [dreg:$0x3];
	s3 =	simm.s32 $0x0;
	s2 =	stileid.u32  }
0x5: {  	s6 =	srdreg.scid;
	[smem:$0x7FF] =	sst s3;
	s7 =	sshll.u32 s2, $0x9  }
0x6: {  	s6 =	sand.u32 $0x1, s6;
	s8 =	sshll.u32 s2, $0x1;
	_ =	strace $0x80000047  }
0x7: {  	s7 =	sand.u32 $0x1800, s7;
	s9 =	ssub.s32 $0x2, s6;
	s6 =	sor.u32 s6, s8  }
0x8: {  	s5 =	sadd.s32 s7, s5;
	s29 =	sshrl.u32 s9, $0x1;
	s8 =	sshll.u32 s6, $0x5  }
0x9: {  	s30 =	sshll.u32 s6, $0x12;
	s6 =	sshll.u32 s6, $0x4;
	s7 =	ssub.s32 s9, s29  }
0xa: {  	s4 =	sadd.s32 s4, s8;
	s31 =	sor.u32 $0x20000, s30;
	s10 =	sor.u32 $0x4000, s30  }
0xb: {  	s11 =	sor.u32 $0x24000, s30;
	s12 =	sor.u32 $0x8000, s30;
	s13 =	sor.u32 $0x28000, s30  }
0xc: {  	s14 =	sor.u32 $0xC000, s30;
	s15 =	sor.u32 $0x2C000, s30;
	s16 =	sor.u32 $0x10000, s30  }
0xd: {  	s17 =	sor.u32 $0x30000, s30;
	s18 =	sor.u32 $0x14000, s30;
	s19 =	sor.u32 $0x34000, s30  }
0xe: {  	s20 =	sor.u32 $0x18000, s30;
	s21 =	sor.u32 $0x38000, s30;
	s6 =	sand.u32 $0x70, s6  }
0xf: {  	v0 =	vmov s30;
	s22 =	sor.u32 $0x1C000, s30;
	s23 =	sor.u32 $0x3C000, s30;
	s8 =	simm.s32 $0x200  }
0x10: {  	s9 =	simm.s32 $0x100;
	s5 =	sadd.s32 s6, s5;
	v1 =	vmov s31;
	v2 =	vmov s10;
	v3 =	vmov s11;
	s6 =	smax.u32 s7, $0x1  }
0x11: {  	s7 =	simm.s32 $0x2;
	v4 =	vmov s12;
	v5 =	vmov s13;
	v6 =	vmov s14;
	s10 =	simm.s32 $0x900;
	s11 =	simm.s32 $0x300  }
0x12: {  	v7 =	vmov s15;
	v8 =	vmov s16;
	v9 =	vmov s17;
	s12 =	simm.s32 $0xB00;
	s13 =	simm.s32 $0x500;
	s14 =	simm.s32 $0xD00  }
0x13: {  	v10 =	vmov s18;
	v11 =	vmov s19;
	v12 =	vmov s20;
	s15 =	simm.s32 $0x700;
	s16 =	simm.s32 $0xF00;
	s17 =	simm.s32 $0x1  }
0x14: {  	v13 =	vmov s21;
	v14 =	vmov s22;
	v15 =	vmov s23;
	s18 =	simm.s32 $0x80;
	s19 =	simm.s32 $0x400;
	s5 =	sadd.s32 $0xA00, s5  }
.LBB2_1:
0x15: {  	[tilespmem:s3], [sflag:$0x2] =	stream.linear.gather [hbm4b:s4+s3], $0x100, $0x38;
	[tilespmem:$0x1100] =	vst v63  }
0x16: {  	_ =	swait.ge [sflag:s7], $0x100  }
0x17: {  	[sflag:s7] =	ssyncset.done $0x0  }
0x18: {  	[sflag:s7] =	ssyncadd.s32 $0xFFFFFF00  }
0x19: {  	v16 =	vld [tilespmem:$0x0]  }
0x1a: {  	v17 =	vld [tilespmem:$0x10]  }
0x1b: {  	v18 =	vld [tilespmem:$0x20]  }
0x1c: {  	v19 =	vld [tilespmem:$0x30]  }
0x1d: {  	v20 =	vld [tilespmem:$0x40]  }
0x1e: {  	v21 =	vld [tilespmem:$0x50];
	v16 =	vadd.s32 v0, v16  }
0x1f: {  	[tilespmem:$0x100] =	vst v16;
	v16 =	vadd.s32 v0, v17;
	v17 =	vld [tilespmem:$0x60]  }
0x20: {  	v52 =	vld [tilespmem:$0x70];
	[tilespmem:$0x110] =	vst v16;
	v16 =	vadd.s32 v0, v18  }
0x21: {  	v53 =	vld [tilespmem:$0x80];
	[tilespmem:$0x120] =	vst v16;
	v16 =	vadd.s32 v0, v19  }
0x22: {  	v54 =	vld [tilespmem:$0x90];
	[tilespmem:$0x130] =	vst v16;
	v16 =	vadd.s32 v0, v20  }
0x23: {  	v55 =	vld [tilespmem:$0xA0];
	[tilespmem:$0x140] =	vst v16;
	v16 =	vadd.s32 v0, v21  }
0x24: {  	[tilespmem:$0x150] =	vst v16;
	v16 =	vadd.s32 v0, v17;
	v17 =	vld [tilespmem:$0xB0]  }
0x25: {  	v56 =	vld [tilespmem:$0xC0];
	[tilespmem:$0x160] =	vst v16;
	v16 =	vadd.s32 v0, v52  }
0x26: {  	v57 =	vld [tilespmem:$0xD0];
	[tilespmem:$0x170] =	vst v16;
	v16 =	vadd.s32 v1, v53  }
0x27: {  	v58 =	vld [tilespmem:$0xE0];
	[tilespmem:$0x180] =	vst v16;
	v16 =	vadd.s32 v1, v54  }
0x28: {  	v59 =	vld [tilespmem:$0xF0];
	[tilespmem:$0x190] =	vst v16;
	v16 =	vadd.s32 v1, v55  }
0x29: {  	[tilespmem:$0x1A0] =	vst v16;
	v16 =	vadd.s32 v1, v17;
	v17 =	vld [tilespmem:$0x0]  }
0x2a: {  	v60 =	vld [tilespmem:$0x10];
	[tilespmem:$0x1B0] =	vst v16;
	v16 =	vadd.s32 v1, v56  }
0x2b: {  	v61 =	vld [tilespmem:$0x20];
	[tilespmem:$0x1C0] =	vst v16;
	v16 =	vadd.s32 v1, v57  }
0x2c: {  	v62 =	vld [tilespmem:$0x30];
	[tilespmem:$0x1D0] =	vst v16;
	v16 =	vadd.s32 v1, v58  }
0x2d: {  	v63 =	vld [tilespmem:$0x40];
	[tilespmem:$0x1E0] =	vst v16;
	v16 =	vadd.s32 v1, v59  }
0x2e: {  	[tilespmem:$0x1F0] =	vst v16;
	v16 =	vadd.s32 v2, v17;
	v17 =	vld [tilespmem:$0x50]  }
0x2f: {  	v24 =	vld [tilespmem:$0x60];
	[tilespmem:$0x200] =	vst v16;
	v16 =	vadd.s32 v2, v60  }
0x30: {  	v25 =	vld [tilespmem:$0x70];
	[tilespmem:$0x210] =	vst v16;
	v16 =	vadd.s32 v2, v61  }
0x31: {  	v26 =	vld [tilespmem:$0x80];
	[tilespmem:$0x220] =	vst v16;
	v16 =	vadd.s32 v2, v62  }
0x32: {  	v27 =	vld [tilespmem:$0x90];
	[tilespmem:$0x230] =	vst v16;
	v16 =	vadd.s32 v2, v63  }
0x33: {  	[tilespmem:$0x240] =	vst v16;
	v16 =	vadd.s32 v2, v17;
	v17 =	vld [tilespmem:$0xA0]  }
0x34: {  	v28 =	vld [tilespmem:$0xB0];
	[tilespmem:$0x250] =	vst v16;
	v16 =	vadd.s32 v2, v24  }
0x35: {  	v29 =	vld [tilespmem:$0xC0];
	[tilespmem:$0x260] =	vst v16;
	v16 =	vadd.s32 v2, v25  }
0x36: {  	v30 =	vld [tilespmem:$0xD0];
	[tilespmem:$0x270] =	vst v16;
	v16 =	vadd.s32 v3, v26  }
0x37: {  	v31 =	vld [tilespmem:$0xE0];
	[tilespmem:$0x280] =	vst v16;
	v16 =	vadd.s32 v3, v27  }
0x38: {  	[tilespmem:$0x290] =	vst v16;
	v16 =	vadd.s32 v3, v17;
	v17 =	vld [tilespmem:$0xF0]  }
0x39: {  	[tilespmem:$0x2A0] =	vst v16;
	v16 =	vadd.s32 v3, v28  }
0x3a: {  	[tilespmem:$0x2B0] =	vst v16;
	v16 =	vadd.s32 v3, v29  }
0x3b: {  	[tilespmem:$0x2C0] =	vst v16;
	v16 =	vadd.s32 v3, v30  }
0x3c: {  	[tilespmem:$0x2D0] =	vst v16;
	v16 =	vadd.s32 v3, v31  }
0x3d: {  	[tilespmem:$0x2E0] =	vst v16;
	v16 =	vadd.s32 v3, v17  }
0x3e: {  	[tilespmem:$0x2F0] =	vst v16  }
0x3f: {  	[tilespmem:s10], [sflag:$0x1] =	stream.indirect.gather [hbm4b:s1+s8], $0x1, s9, s8, $0xb8;
	[tilespmem:$0x1100] =	vst v63  }
0x40: {  	v16 =	vld [tilespmem:$0x0]  }
0x41: {  	v17 =	vld [tilespmem:$0x10]  }
0x42: {  	v32 =	vld [tilespmem:$0x20]  }
0x43: {  	v33 =	vld [tilespmem:$0x30]  }
0x44: {  	v34 =	vld [tilespmem:$0x40]  }
0x45: {  	v35 =	vld [tilespmem:$0x50];
	v16 =	vadd.s32 v4, v16  }
0x46: {  	[tilespmem:$0x300] =	vst v16;
	v16 =	vadd.s32 v4, v17;
	v17 =	vld [tilespmem:$0x60]  }
0x47: {  	v36 =	vld [tilespmem:$0x70];
	[tilespmem:$0x310] =	vst v16;
	v16 =	vadd.s32 v4, v32  }
0x48: {  	v37 =	vld [tilespmem:$0x80];
	[tilespmem:$0x320] =	vst v16;
	v16 =	vadd.s32 v4, v33  }
0x49: {  	v38 =	vld [tilespmem:$0x90];
	[tilespmem:$0x330] =	vst v16;
	v16 =	vadd.s32 v4, v34  }
0x4a: {  	v39 =	vld [tilespmem:$0xA0];
	[tilespmem:$0x340] =	vst v16;
	v16 =	vadd.s32 v4, v35  }
0x4b: {  	[tilespmem:$0x350] =	vst v16;
	v16 =	vadd.s32 v4, v17;
	v17 =	vld [tilespmem:$0xB0]  }
0x4c: {  	v40 =	vld [tilespmem:$0xC0];
	[tilespmem:$0x360] =	vst v16;
	v16 =	vadd.s32 v4, v36  }
0x4d: {  	v41 =	vld [tilespmem:$0xD0];
	[tilespmem:$0x370] =	vst v16;
	v16 =	vadd.s32 v5, v37  }
0x4e: {  	v42 =	vld [tilespmem:$0xE0];
	[tilespmem:$0x380] =	vst v16;
	v16 =	vadd.s32 v5, v38  }
0x4f: {  	v43 =	vld [tilespmem:$0xF0];
	[tilespmem:$0x390] =	vst v16;
	v16 =	vadd.s32 v5, v39  }
0x50: {  	[tilespmem:$0x3A0] =	vst v16;
	v16 =	vadd.s32 v5, v17;
	v17 =	vld [tilespmem:$0x0]  }
0x51: {  	v44 =	vld [tilespmem:$0x10];
	[tilespmem:$0x3B0] =	vst v16;
	v16 =	vadd.s32 v5, v40  }
0x52: {  	v45 =	vld [tilespmem:$0x20];
	[tilespmem:$0x3C0] =	vst v16;
	v16 =	vadd.s32 v5, v41  }
0x53: {  	v46 =	vld [tilespmem:$0x30];
	[tilespmem:$0x3D0] =	vst v16;
	v16 =	vadd.s32 v5, v42  }
0x54: {  	v47 =	vld [tilespmem:$0x40];
	[tilespmem:$0x3E0] =	vst v16;
	v16 =	vadd.s32 v5, v43  }
0x55: {  	[tilespmem:$0x3F0] =	vst v16;
	v16 =	vadd.s32 v6, v17;
	v17 =	vld [tilespmem:$0x50]  }
0x56: {  	v48 =	vld [tilespmem:$0x60];
	[tilespmem:$0x400] =	vst v16;
	v16 =	vadd.s32 v6, v44  }
0x57: {  	v49 =	vld [tilespmem:$0x70];
	[tilespmem:$0x410] =	vst v16;
	v16 =	vadd.s32 v6, v45  }
0x58: {  	v50 =	vld [tilespmem:$0x80];
	[tilespmem:$0x420] =	vst v16;
	v16 =	vadd.s32 v6, v46  }
0x59: {  	v51 =	vld [tilespmem:$0x90];
	[tilespmem:$0x430] =	vst v16;
	v16 =	vadd.s32 v6, v47  }
0x5a: {  	[tilespmem:$0x440] =	vst v16;
	v16 =	vadd.s32 v6, v17;
	v17 =	vld [tilespmem:$0xA0]  }
0x5b: {  	v52 =	vld [tilespmem:$0xB0];
	[tilespmem:$0x450] =	vst v16;
	v16 =	vadd.s32 v6, v48  }
0x5c: {  	v53 =	vld [tilespmem:$0xC0];
	[tilespmem:$0x460] =	vst v16;
	v16 =	vadd.s32 v6, v49  }
0x5d: {  	v54 =	vld [tilespmem:$0xD0];
	[tilespmem:$0x470] =	vst v16;
	v16 =	vadd.s32 v7, v50  }
0x5e: {  	v55 =	vld [tilespmem:$0xE0];
	[tilespmem:$0x480] =	vst v16;
	v16 =	vadd.s32 v7, v51  }
0x5f: {  	[tilespmem:$0x490] =	vst v16;
	v16 =	vadd.s32 v7, v17;
	v17 =	vld [tilespmem:$0xF0]  }
0x60: {  	[tilespmem:$0x4A0] =	vst v16;
	v16 =	vadd.s32 v7, v52  }
0x61: {  	[tilespmem:$0x4B0] =	vst v16;
	v16 =	vadd.s32 v7, v53  }
0x62: {  	[tilespmem:$0x4C0] =	vst v16;
	v16 =	vadd.s32 v7, v54  }
0x63: {  	[tilespmem:$0x4D0] =	vst v16;
	v16 =	vadd.s32 v7, v55  }
0x64: {  	[tilespmem:$0x4E0] =	vst v16;
	v16 =	vadd.s32 v7, v17  }
0x65: {  	[tilespmem:$0x4F0] =	vst v16  }
0x66: {  	[tilespmem:s12], [sflag:$0x1] =	stream.indirect.gather [hbm4b:s1+s8], $0x1, s11, s8, $0xb8;
	[tilespmem:$0x1100] =	vst v63  }
0x67: {  	v16 =	vld [tilespmem:$0x0]  }
0x68: {  	v17 =	vld [tilespmem:$0x10]  }
0x69: {  	v56 =	vld [tilespmem:$0x20]  }
0x6a: {  	v57 =	vld [tilespmem:$0x30]  }
0x6b: {  	v58 =	vld [tilespmem:$0x40]  }
0x6c: {  	v59 =	vld [tilespmem:$0x50];
	v16 =	vadd.s32 v8, v16  }
0x6d: {  	[tilespmem:$0x500] =	vst v16;
	v16 =	vadd.s32 v8, v17;
	v17 =	vld [tilespmem:$0x60]  }
0x6e: {  	v60 =	vld [tilespmem:$0x70];
	[tilespmem:$0x510] =	vst v16;
	v16 =	vadd.s32 v8, v56  }
0x6f: {  	v61 =	vld [tilespmem:$0x80];
	[tilespmem:$0x520] =	vst v16;
	v16 =	vadd.s32 v8, v57  }
0x70: {  	v62 =	vld [tilespmem:$0x90];
	[tilespmem:$0x530] =	vst v16;
	v16 =	vadd.s32 v8, v58  }
0x71: {  	v63 =	vld [tilespmem:$0xA0];
	[tilespmem:$0x540] =	vst v16;
	v16 =	vadd.s32 v8, v59  }
0x72: {  	[tilespmem:$0x550] =	vst v16;
	v16 =	vadd.s32 v8, v17;
	v17 =	vld [tilespmem:$0xB0]  }
0x73: {  	v24 =	vld [tilespmem:$0xC0];
	[tilespmem:$0x560] =	vst v16;
	v16 =	vadd.s32 v8, v60  }
0x74: {  	v25 =	vld [tilespmem:$0xD0];
	[tilespmem:$0x570] =	vst v16;
	v16 =	vadd.s32 v9, v61  }
0x75: {  	v26 =	vld [tilespmem:$0xE0];
	[tilespmem:$0x580] =	vst v16;
	v16 =	vadd.s32 v9, v62  }
0x76: {  	v27 =	vld [tilespmem:$0xF0];
	[tilespmem:$0x590] =	vst v16;
	v16 =	vadd.s32 v9, v63  }
0x77: {  	[tilespmem:$0x5A0] =	vst v16;
	v16 =	vadd.s32 v9, v17;
	v17 =	vld [tilespmem:$0x0]  }
0x78: {  	v28 =	vld [tilespmem:$0x10];
	[tilespmem:$0x5B0] =	vst v16;
	v16 =	vadd.s32 v9, v24  }
0x79: {  	v29 =	vld [tilespmem:$0x20];
	[tilespmem:$0x5C0] =	vst v16;
	v16 =	vadd.s32 v9, v25  }
0x7a: {  	v30 =	vld [tilespmem:$0x30];
	[tilespmem:$0x5D0] =	vst v16;
	v16 =	vadd.s32 v9, v26  }
0x7b: {  	v31 =	vld [tilespmem:$0x40];
	[tilespmem:$0x5E0] =	vst v16;
	v16 =	vadd.s32 v9, v27  }
0x7c: {  	[tilespmem:$0x5F0] =	vst v16;
	v16 =	vadd.s32 v10, v17;
	v17 =	vld [tilespmem:$0x50]  }
0x7d: {  	v32 =	vld [tilespmem:$0x60];
	[tilespmem:$0x600] =	vst v16;
	v16 =	vadd.s32 v10, v28  }
0x7e: {  	v33 =	vld [tilespmem:$0x70];
	[tilespmem:$0x610] =	vst v16;
	v16 =	vadd.s32 v10, v29  }
0x7f: {  	v34 =	vld [tilespmem:$0x80];
	[tilespmem:$0x620] =	vst v16;
	v16 =	vadd.s32 v10, v30  }
0x80: {  	v35 =	vld [tilespmem:$0x90];
	[tilespmem:$0x630] =	vst v16;
	v16 =	vadd.s32 v10, v31  }
0x81: {  	[tilespmem:$0x640] =	vst v16;
	v16 =	vadd.s32 v10, v17;
	v17 =	vld [tilespmem:$0xA0]  }
0x82: {  	v36 =	vld [tilespmem:$0xB0];
	[tilespmem:$0x650] =	vst v16;
	v16 =	vadd.s32 v10, v32  }
0x83: {  	v37 =	vld [tilespmem:$0xC0];
	[tilespmem:$0x660] =	vst v16;
	v16 =	vadd.s32 v10, v33  }
0x84: {  	v38 =	vld [tilespmem:$0xD0];
	[tilespmem:$0x670] =	vst v16;
	v16 =	vadd.s32 v11, v34  }
0x85: {  	v39 =	vld [tilespmem:$0xE0];
	[tilespmem:$0x680] =	vst v16;
	v16 =	vadd.s32 v11, v35  }
0x86: {  	[tilespmem:$0x690] =	vst v16;
	v16 =	vadd.s32 v11, v17;
	v17 =	vld [tilespmem:$0xF0]  }
0x87: {  	[tilespmem:$0x6A0] =	vst v16;
	v16 =	vadd.s32 v11, v36  }
0x88: {  	[tilespmem:$0x6B0] =	vst v16;
	v16 =	vadd.s32 v11, v37  }
0x89: {  	[tilespmem:$0x6C0] =	vst v16;
	v16 =	vadd.s32 v11, v38  }
0x8a: {  	[tilespmem:$0x6D0] =	vst v16;
	v16 =	vadd.s32 v11, v39  }
0x8b: {  	[tilespmem:$0x6E0] =	vst v16;
	v16 =	vadd.s32 v11, v17  }
0x8c: {  	[tilespmem:$0x6F0] =	vst v16  }
0x8d: {  	[tilespmem:s14], [sflag:$0x1] =	stream.indirect.gather [hbm4b:s1+s8], $0x1, s13, s8, $0xb8;
	[tilespmem:$0x1100] =	vst v63  }
0x8e: {  	v16 =	vld [tilespmem:$0x0]  }
0x8f: {  	v17 =	vld [tilespmem:$0x10]  }
0x90: {  	v40 =	vld [tilespmem:$0x20]  }
0x91: {  	v41 =	vld [tilespmem:$0x30]  }
0x92: {  	v42 =	vld [tilespmem:$0x40]  }
0x93: {  	v43 =	vld [tilespmem:$0x50];
	v16 =	vadd.s32 v12, v16  }
0x94: {  	[tilespmem:$0x700] =	vst v16;
	v16 =	vadd.s32 v12, v17;
	v17 =	vld [tilespmem:$0x60]  }
0x95: {  	v44 =	vld [tilespmem:$0x70];
	[tilespmem:$0x710] =	vst v16;
	v16 =	vadd.s32 v12, v40  }
0x96: {  	v45 =	vld [tilespmem:$0x80];
	[tilespmem:$0x720] =	vst v16;
	v16 =	vadd.s32 v12, v41  }
0x97: {  	v46 =	vld [tilespmem:$0x90];
	[tilespmem:$0x730] =	vst v16;
	v16 =	vadd.s32 v12, v42  }
0x98: {  	v47 =	vld [tilespmem:$0xA0];
	[tilespmem:$0x740] =	vst v16;
	v16 =	vadd.s32 v12, v43  }
0x99: {  	[tilespmem:$0x750] =	vst v16;
	v16 =	vadd.s32 v12, v17;
	v17 =	vld [tilespmem:$0xB0]  }
0x9a: {  	v48 =	vld [tilespmem:$0xC0];
	[tilespmem:$0x760] =	vst v16;
	v16 =	vadd.s32 v12, v44  }
0x9b: {  	v49 =	vld [tilespmem:$0xD0];
	[tilespmem:$0x770] =	vst v16;
	v16 =	vadd.s32 v13, v45  }
0x9c: {  	v50 =	vld [tilespmem:$0xE0];
	[tilespmem:$0x780] =	vst v16;
	v16 =	vadd.s32 v13, v46  }
0x9d: {  	v51 =	vld [tilespmem:$0xF0];
	[tilespmem:$0x790] =	vst v16;
	v16 =	vadd.s32 v13, v47  }
0x9e: {  	[tilespmem:$0x7A0] =	vst v16;
	v16 =	vadd.s32 v13, v17;
	v17 =	vld [tilespmem:$0x0]  }
0x9f: {  	v52 =	vld [tilespmem:$0x10];
	[tilespmem:$0x7B0] =	vst v16;
	v16 =	vadd.s32 v13, v48  }
0xa0: {  	v53 =	vld [tilespmem:$0x20];
	[tilespmem:$0x7C0] =	vst v16;
	v16 =	vadd.s32 v13, v49  }
0xa1: {  	v54 =	vld [tilespmem:$0x30];
	[tilespmem:$0x7D0] =	vst v16;
	v16 =	vadd.s32 v13, v50  }
0xa2: {  	v55 =	vld [tilespmem:$0x40];
	[tilespmem:$0x7E0] =	vst v16;
	v16 =	vadd.s32 v13, v51  }
0xa3: {  	[tilespmem:$0x7F0] =	vst v16;
	v16 =	vadd.s32 v14, v17;
	v17 =	vld [tilespmem:$0x50]  }
0xa4: {  	v56 =	vld [tilespmem:$0x60];
	[tilespmem:$0x800] =	vst v16;
	v16 =	vadd.s32 v14, v52  }
0xa5: {  	v57 =	vld [tilespmem:$0x70];
	[tilespmem:$0x810] =	vst v16;
	v16 =	vadd.s32 v14, v53  }
0xa6: {  	v58 =	vld [tilespmem:$0x80];
	[tilespmem:$0x820] =	vst v16;
	v16 =	vadd.s32 v14, v54  }
0xa7: {  	v59 =	vld [tilespmem:$0x90];
	[tilespmem:$0x830] =	vst v16;
	v16 =	vadd.s32 v14, v55  }
0xa8: {  	[tilespmem:$0x840] =	vst v16;
	v16 =	vadd.s32 v14, v17;
	v17 =	vld [tilespmem:$0xA0]  }
0xa9: {  	v60 =	vld [tilespmem:$0xB0];
	[tilespmem:$0x850] =	vst v16;
	v16 =	vadd.s32 v14, v56  }
0xaa: {  	v61 =	vld [tilespmem:$0xC0];
	[tilespmem:$0x860] =	vst v16;
	v16 =	vadd.s32 v14, v57  }
0xab: {  	v62 =	vld [tilespmem:$0xD0];
	[tilespmem:$0x870] =	vst v16;
	v16 =	vadd.s32 v15, v58  }
0xac: {  	v63 =	vld [tilespmem:$0xE0];
	[tilespmem:$0x880] =	vst v16;
	v16 =	vadd.s32 v15, v59  }
0xad: {  	[tilespmem:$0x890] =	vst v16;
	v16 =	vadd.s32 v15, v17;
	v17 =	vld [tilespmem:$0xF0]  }
0xae: {  	[tilespmem:$0x8A0] =	vst v16;
	v16 =	vadd.s32 v15, v60  }
0xaf: {  	[tilespmem:$0x8B0] =	vst v16;
	v16 =	vadd.s32 v15, v61  }
0xb0: {  	[tilespmem:$0x8C0] =	vst v16;
	v16 =	vadd.s32 v15, v62  }
0xb1: {  	[tilespmem:$0x8D0] =	vst v16;
	v16 =	vadd.s32 v15, v63  }
0xb2: {  	[tilespmem:$0x8E0] =	vst v16;
	v16 =	vadd.s32 v15, v17  }
0xb3: {  	[tilespmem:$0x8F0] =	vst v16  }
0xb4: {  	[tilespmem:s16], [sflag:$0x1] =	stream.indirect.gather [hbm4b:s1+s8], $0x1, s15, s8, $0xb8;
	[tilespmem:$0x1100] =	vst v63  }
0xb5: {  	_ =	swait.ge [sflag:s17], $0x200  }
0xb6: {  	[sflag:s17] =	ssyncset.done $0x0  }
0xb7: {  	[sflag:s17] =	ssyncadd.s32 $0xFFFFFE00  }
0xb8: {  	_ =	swait.ge [sflag:s17], $0x200  }
0xb9: {  	[sflag:s17] =	ssyncset.done $0x0  }
0xba: {  	[sflag:s17] =	ssyncadd.s32 $0xFFFFFE00  }
0xbb: {  	_ =	swait.ge [sflag:s17], $0x200  }
0xbc: {  	[sflag:s17] =	ssyncset.done $0x0  }
0xbd: {  	[sflag:s17] =	ssyncadd.s32 $0xFFFFFE00  }
0xbe: {  	_ =	swait.ge [sflag:s17], $0x200  }
0xbf: {  	p0 =	sne.s32 s6, $0x1;
	[sflag:s17] =	ssyncset.done $0x0  }
.Ltmp0:
0xc0: {  	[sflag:s17] =	ssyncadd.s32 $0xFFFFFE00;
	(pc) =	sbr.rel @p0 .LBB2_1-.Ltmp0, $4  }
0xc1: {  	[hbm4b:s5+s18] =	stream.strided.scatter [tilespmem:s10], [sflag:$0x2], $0x800, s19, s18, $0x38;
	[tilespmem:$0x1100] =	vst v63  }
0xc2: {  	_ =	swait.ge [sflag:s7], $0x800  }
0xc3: {  	[sflag:s7] =	ssyncset.done $0x0  }
0xc4: {  	s6 =	sadd.s32 $0xFFFFFFFF, s6;
	[sflag:s7] =	ssyncadd.s32 $0xFFFFF800  }
0xc5: {  	_ =	sfence.sel $0x180000  }
0xc6: {  	[bflag:$0x0] =	sbarrier.arrive $0xFFFF  }
0xc7: {  	p0 =	sne.s32 s2, $0x0;
	_ =	strace $0x90000047  }
0xc8: {  	s0 =	sadd.s32 @!p0 $0x100000, s0;
	[bflag:$0x2] =	sbarrier.arrive $0xFFFF  }
0xc9: {  	[sflag:s0] =	ssyncadd.tile.s32 @!p0 $0x1;
	_ =	shalt  }
.Lfunc_end2:
_tile_overlayer_lowered:
.L_overlay_start_2:
0xca: {  	(tag) =	ssettag $0x2  }
0xcb: {  	s0 =	rddreg [dreg:$0x0];
	s2 =	stileid.u32  }
0xcc: {  	s1 =	rddreg [dreg:$0x1];
	p0 =	sne.s32 s2, $0x0  }
0xcd: {  	s3 =	rddreg [dreg:$0x2];
	[bflag:$0x3] =	sbarrier.arrive $0xFFFF;
	s2 =	simm.s32 @!p0 $0x1C02  }
0xce: {  	[timem:s3], [sflag:s2] =	dma.local @!p0 [hbm:s0], s1  }
0xcf: {  	s0 =	simm.s32 @!p0 $0x2  }
0xd0: {  	_ =	swait.ge @!p0 [sflag:s0], s1  }
0xd1: {  	s1 =	ssub.s32 @!p0 $0x0, s1;
	[sflag:s0] =	ssyncset.done @!p0 $0x0  }
0xd2: {  	[sflag:s0] =	ssyncadd.s32 @!p0 s1  }
0xd3: {  	[bflag:$0x3] =	sbarrier.arrive $0xFFFF  }
0xd4: {  	_ =	shalt  }

</sc_bundles>
